<compile_context>
chip_gen: v7x
topology: tpu7x:2x2x1
jax: 0.10.2.dev20260603
libtpu: 0.0.44.dev20260713+nightly
codegen_flags: <defaults>
</compile_context>

<pallas_src>
import functools

import jax
import jax.numpy as jnp
from jax import lax
from jax.experimental import pallas as pl
from jax.experimental.pallas import tpu as pltpu
from jax.experimental.pallas import tpu_sc as plsc

NUM_EMBED = 100000
EMBED_DIM = 768
OUT_DIM = 256
HALF = OUT_DIM // 2
BATCH = 4096
SEQ = 200


_MM_BLOCK = 2000


def _pack_bf16_pair(lo, hi):
    lo_bits = lax.bitcast_convert_type(
        lo.astype(jnp.bfloat16).astype(jnp.float32), jnp.int32)
    hi_bits = lax.bitcast_convert_type(
        hi.astype(jnp.bfloat16).astype(jnp.float32), jnp.int32)
    return lax.shift_right_logical(lo_bits, 16) | (
        hi_bits & jnp.int32(-65536))


def _mm_body(e_ref, wlo_ref, whi_ref, b_ref, o_ref):
    e = e_ref[...]
    lo = (jnp.dot(e, wlo_ref[...], preferred_element_type=jnp.float32)
          + b_ref[0:1, :HALF])
    hi = (jnp.dot(e, whi_ref[...], preferred_element_type=jnp.float32)
          + b_ref[0:1, HALF:])
    o_ref[...] = _pack_bf16_pair(lo, hi)


def _project_table(emb_table, fc_wt_lo, fc_wt_hi, fc_b2d):
    return pl.pallas_call(
        _mm_body,
        grid=(NUM_EMBED // _MM_BLOCK,),
        in_specs=[
            pl.BlockSpec((_MM_BLOCK, EMBED_DIM), lambda i: (i, 0)),
            pl.BlockSpec((EMBED_DIM, HALF), lambda i: (0, 0)),
            pl.BlockSpec((EMBED_DIM, HALF), lambda i: (0, 0)),
            pl.BlockSpec((1, OUT_DIM), lambda i: (0, 0)),
        ],
        out_specs=pl.BlockSpec((_MM_BLOCK, HALF), lambda i: (i, 0)),
        out_shape=jax.ShapeDtypeStruct((NUM_EMBED, HALF), jnp.int32),
    )(emb_table, fc_wt_lo, fc_wt_hi, fc_b2d)



_NW = 32
_ROWS_PER_W = BATCH // _NW
_CHUNK = 100
_CHUNKS_PER_ROW = SEQ // _CHUNK
_CHUNKS_PER_W = _ROWS_PER_W * _CHUNKS_PER_ROW
_NG = HALF // 16
_INV_SEQ = 1.0 / SEQ


def _gather_mean_body(p_hbm, xr_hbm, out_hbm, idx_v, buf_a, buf_b, buf_c,
                      buf_d, out_v, sem_a, sem_b, sem_c, sem_d):
    wid = lax.axis_index("s") * 2 + lax.axis_index("c")

    pltpu.sync_copy(xr_hbm.at[pl.ds(wid * _CHUNKS_PER_W, _CHUNKS_PER_W)],
                    idx_v)

    def accumulate(buf, acc):
        def body(i, acc):
            acc = list(acc)
            for g in range(_NG):
                packed = buf[i, pl.ds(16 * g, 16)]
                acc[g] = acc[g] + lax.bitcast_convert_type(
                    packed << 16, jnp.float32)
                acc[_NG + g] = acc[_NG + g] + lax.bitcast_convert_type(
                    packed, jnp.float32)
            return tuple(acc)
        return lax.fori_loop(0, _CHUNK, body, acc)

    zeros = tuple(jnp.zeros((16,), jnp.float32) for _ in range(2 * _NG))

    def store_row(row, acc):
        for g in range(_NG):
            out_v[row, pl.ds(16 * g, 16)] = acc[g] * _INV_SEQ
        for g in range(_NG):
            out_v[row, pl.ds(HALF + 16 * g, 16)] = acc[_NG + g] * _INV_SEQ

    def start(c, buf, sem):
        pltpu.async_copy(p_hbm.at[idx_v.at[c]], buf, sem)

    def wait(c, buf, sem):
        pltpu.make_async_copy(p_hbm.at[idx_v.at[c]], buf, sem).wait()

    start(0, buf_a, sem_a)
    start(1, buf_b, sem_b)
    start(2, buf_c, sem_c)
    start(3, buf_d, sem_d)

    def quad_body(q, _):
        c0 = 4 * q

        wait(c0, buf_a, sem_a)
        acc = accumulate(buf_a, zeros)
        wait(c0 + 1, buf_b, sem_b)
        acc = accumulate(buf_b, acc)
        store_row(2 * q, acc)

        @pl.when(q < _ROWS_PER_W // 2 - 1)
        def _():
            start(c0 + 4, buf_a, sem_a)
            start(c0 + 5, buf_b, sem_b)

        wait(c0 + 2, buf_c, sem_c)
        acc = accumulate(buf_c, zeros)
        wait(c0 + 3, buf_d, sem_d)
        acc = accumulate(buf_d, acc)
        store_row(2 * q + 1, acc)

        @pl.when(q < _ROWS_PER_W // 2 - 1)
        def _():
            start(c0 + 6, buf_c, sem_c)
            start(c0 + 7, buf_d, sem_d)
        return 0

    lax.fori_loop(0, _ROWS_PER_W // 2, quad_body, 0)

    pltpu.sync_copy(out_v, out_hbm.at[pl.ds(wid * _ROWS_PER_W, _ROWS_PER_W)])


def _gather_mean(p, x_chunks):
    mesh = plsc.VectorSubcoreMesh(core_axis_name="c", subcore_axis_name="s")
    run = functools.partial(
        pl.kernel,
        mesh=mesh,
        out_type=jax.ShapeDtypeStruct((BATCH, OUT_DIM), jnp.float32),
        scratch_types=[
            pltpu.VMEM((_CHUNKS_PER_W, _CHUNK), jnp.int32),
            pltpu.VMEM((_CHUNK, HALF), jnp.int32),
            pltpu.VMEM((_CHUNK, HALF), jnp.int32),
            pltpu.VMEM((_CHUNK, HALF), jnp.int32),
            pltpu.VMEM((_CHUNK, HALF), jnp.int32),
            pltpu.VMEM((_ROWS_PER_W, OUT_DIM), jnp.float32),
            pltpu.SemaphoreType.DMA,
            pltpu.SemaphoreType.DMA,
            pltpu.SemaphoreType.DMA,
            pltpu.SemaphoreType.DMA,
        ],
    )(_gather_mean_body)
    return run(p, x_chunks)


def kernel(x, emb_table, fc_w, fc_b):
    fc_wt = fc_w.T
    p = _project_table(emb_table, fc_wt[:, :HALF], fc_wt[:, HALF:],
                       fc_b.reshape(1, OUT_DIM))
    x_chunks = x.astype(jnp.int32).reshape(BATCH * SEQ // _CHUNK, _CHUNK)
    return _gather_mean(p, x_chunks)

# --- scband reference (transcript-rebuilt; emitter-appended) ---
"""Pipeline reference for scband-sent-bertbase-encoder-47107201303328 (READ-ONLY COPY).

The authoritative reference and input builder live on the scoring server;
editing this copy changes nothing except your own understanding.
"""

import jax, jax.numpy as jnp
import numpy as np

NUM_EMBED = 100000
EMBED_DIM = 768
OUT_DIM = 256
BATCH = 4096
SEQ = 200


def setup_inputs(seed: int = 0) -> dict:
    key = jax.random.key(seed)
    k_x, k_emb, k_w, k_b = jax.random.split(key, 4)
    x = jax.random.randint(k_x, (BATCH, SEQ), 0, NUM_EMBED, dtype=jnp.int64 if jax.config.jax_enable_x64 else jnp.int32)
    emb_table = jax.random.normal(k_emb, (NUM_EMBED, EMBED_DIM), dtype=jnp.float32) * 0.02
    # init_weights on fc: use normal init for weight, zeros bias (typical)
    fc_w = jax.random.normal(k_w, (OUT_DIM, EMBED_DIM), dtype=jnp.float32) * 0.02
    fc_b = jnp.zeros((OUT_DIM,), dtype=jnp.float32)
    return {"x": x, "emb_table": emb_table, "fc_w": fc_w, "fc_b": fc_b}


def reference(x, emb_table, fc_w, fc_b):
    # embedding lookup: (B, L) -> (B, L, 768)
    e = jnp.take(emb_table, x, axis=0)
    # mean over sequence dim -> (B, 768)
    m = jnp.mean(e, axis=1)
    # linear: (B, 768) @ (768, out_dim) + bias -> (B, out_dim)
    out = m @ fc_w.T + fc_b
    return out

if __name__ == "__main__":
    import jax
    _d = setup_inputs()
    print(jax.jit(kernel)(*tuple(_d.values())))

</pallas_src>

<mosaic_0001>
#map = affine_map<(d0, d1) -> (0, 0)>
module attributes {stable_mosaic.version = 14 : i64} {
  func.func @_gather_mean_body(%arg0: i32, %arg1: i32, %arg2: memref<100000x128xi32, #tpu.memory_space<hbm>>, %arg3: memref<8192x100xi32, #tpu.memory_space<hbm>>, %arg4: memref<4096x256xf32, #tpu.memory_space<hbm>>, %arg5: memref<256x100xi32, #tpu.memory_space<vmem>>, %arg6: memref<100x128xi32, #tpu.memory_space<vmem>>, %arg7: memref<100x128xi32, #tpu.memory_space<vmem>>, %arg8: memref<100x128xi32, #tpu.memory_space<vmem>>, %arg9: memref<100x128xi32, #tpu.memory_space<vmem>>, %arg10: memref<128x256xf32, #tpu.memory_space<vmem>>, %arg11: memref<!tpu.dma_semaphore, #tpu.memory_space<semaphore_mem>>, %arg12: memref<!tpu.dma_semaphore, #tpu.memory_space<semaphore_mem>>, %arg13: memref<!tpu.dma_semaphore, #tpu.memory_space<semaphore_mem>>, %arg14: memref<!tpu.dma_semaphore, #tpu.memory_space<semaphore_mem>>) attributes {dimension_semantics = [#tpu.dimension_semantics<core_parallel>, #tpu.dimension_semantics<subcore_parallel>], iteration_bounds = array<i64: 2, 16>, scalar_prefetch = 0 : i64, scratch_operands = 10 : i64, tpu.core_type = #tpu.core_type<sc_vector_subcore>, window_params = [{transform_indices = #map}, {transform_indices = #map}, {transform_indices = #map}]} {
    %mul3A = arith.constant 2 : i32
    %mul3A_0 = arith.muli %arg1, %mul3A : i32
    %add3A = arith.addi %mul3A_0, %arg0 : i32
    %mul3A_1 = arith.constant 256 : i32
    %mul3A_2 = arith.muli %add3A, %mul3A_1 : i32
    "tpu.region"() ({
      %run_scoped3A = tpu.sem_alloc : memref<!tpu.dma_semaphore, #tpu.memory_space<semaphore_mem>>
      %dma_start3A_69 = arith.constant 0 : i32
      %dma_start3A_70 = tpu.memref_slice %arg3[%mul3A_2, %dma_start3A_69] : memref<8192x100xi32, #tpu.memory_space<hbm>> -> memref<256x100xi32, #tpu.memory_space<hbm>>
      %dma_start3A_71 = arith.constant 0 : i32
      %dma_start3A_72 = tpu.memref_slice %arg3[%mul3A_2, %dma_start3A_71] : memref<8192x100xi32, #tpu.memory_space<hbm>> -> memref<256x100xi32, #tpu.memory_space<hbm>>
      tpu.enqueue_dma source(%dma_start3A_72 : memref<256x100xi32, #tpu.memory_space<hbm>>) target(%arg5 : memref<256x100xi32, #tpu.memory_space<vmem>>) target_semaphore(%run_scoped3A : memref<!tpu.dma_semaphore, #tpu.memory_space<semaphore_mem>>)
      %dma_wait3A = arith.constant 0 : i32
      %dma_wait3A_73 = tpu.memref_slice %arg3[%mul3A_2, %dma_wait3A] : memref<8192x100xi32, #tpu.memory_space<hbm>> -> memref<256x100xi32, #tpu.memory_space<hbm>>
      %dma_wait3A_74 = arith.constant 0 : i32
      %dma_wait3A_75 = tpu.memref_slice %arg3[%mul3A_2, %dma_wait3A_74] : memref<8192x100xi32, #tpu.memory_space<hbm>> -> memref<256x100xi32, #tpu.memory_space<hbm>>
      tpu.wait_dma2 semaphore(%run_scoped3A : memref<!tpu.dma_semaphore, #tpu.memory_space<semaphore_mem>>) src(%dma_wait3A_75 : memref<256x100xi32, #tpu.memory_space<hbm>>) dst(%arg5 : memref<256x100xi32, #tpu.memory_space<vmem>>)
      tpu.yield
    }) : () -> ()
    %broadcast_in_dim3A = arith.constant 0.000000e+00 : f32
    %broadcast_in_dim3A_3 = vector.broadcast %broadcast_in_dim3A : f32 to vector<16xf32>
    %broadcast_in_dim3A_4 = arith.constant 0.000000e+00 : f32
    %broadcast_in_dim3A_5 = vector.broadcast %broadcast_in_dim3A_4 : f32 to vector<16xf32>
    %broadcast_in_dim3A_6 = arith.constant 0.000000e+00 : f32
    %broadcast_in_dim3A_7 = vector.broadcast %broadcast_in_dim3A_6 : f32 to vector<16xf32>
    %broadcast_in_dim3A_8 = arith.constant 0.000000e+00 : f32
    %broadcast_in_dim3A_9 = vector.broadcast %broadcast_in_dim3A_8 : f32 to vector<16xf32>
    %broadcast_in_dim3A_10 = arith.constant 0.000000e+00 : f32
    %broadcast_in_dim3A_11 = vector.broadcast %broadcast_in_dim3A_10 : f32 to vector<16xf32>
    %broadcast_in_dim3A_12 = arith.constant 0.000000e+00 : f32
    %broadcast_in_dim3A_13 = vector.broadcast %broadcast_in_dim3A_12 : f32 to vector<16xf32>
    %broadcast_in_dim3A_14 = arith.constant 0.000000e+00 : f32
    %broadcast_in_dim3A_15 = vector.broadcast %broadcast_in_dim3A_14 : f32 to vector<16xf32>
    %broadcast_in_dim3A_16 = arith.constant 0.000000e+00 : f32
    %broadcast_in_dim3A_17 = vector.broadcast %broadcast_in_dim3A_16 : f32 to vector<16xf32>
    %broadcast_in_dim3A_18 = arith.constant 0.000000e+00 : f32
    %broadcast_in_dim3A_19 = vector.broadcast %broadcast_in_dim3A_18 : f32 to vector<16xf32>
    %broadcast_in_dim3A_20 = arith.constant 0.000000e+00 : f32
    %broadcast_in_dim3A_21 = vector.broadcast %broadcast_in_dim3A_20 : f32 to vector<16xf32>
    %broadcast_in_dim3A_22 = arith.constant 0.000000e+00 : f32
    %broadcast_in_dim3A_23 = vector.broadcast %broadcast_in_dim3A_22 : f32 to vector<16xf32>
    %broadcast_in_dim3A_24 = arith.constant 0.000000e+00 : f32
    %broadcast_in_dim3A_25 = vector.broadcast %broadcast_in_dim3A_24 : f32 to vector<16xf32>
    %broadcast_in_dim3A_26 = arith.constant 0.000000e+00 : f32
    %broadcast_in_dim3A_27 = vector.broadcast %broadcast_in_dim3A_26 : f32 to vector<16xf32>
    %broadcast_in_dim3A_28 = arith.constant 0.000000e+00 : f32
    %broadcast_in_dim3A_29 = vector.broadcast %broadcast_in_dim3A_28 : f32 to vector<16xf32>
    %broadcast_in_dim3A_30 = arith.constant 0.000000e+00 : f32
    %broadcast_in_dim3A_31 = vector.broadcast %broadcast_in_dim3A_30 : f32 to vector<16xf32>
    %broadcast_in_dim3A_32 = arith.constant 0.000000e+00 : f32
    %broadcast_in_dim3A_33 = vector.broadcast %broadcast_in_dim3A_32 : f32 to vector<16xf32>
    %dma_start3A = arith.constant 0 : i32
    %dma_start3A_34 = arith.constant 0 : i32
    %dma_start3A_35 = tpu.memref_slice %arg5[%dma_start3A, %dma_start3A_34] : memref<256x100xi32, #tpu.memory_space<vmem>> -> memref<1x100xi32, #tpu.memory_space<vmem>>
    %dma_start3A_36 = tpu.memref_squeeze %dma_start3A_35 : memref<1x100xi32, #tpu.memory_space<vmem>> -> memref<100xi32, #tpu.memory_space<vmem>>
    %dma_start3A_37 = arith.constant 0 : i32
    %dma_start3A_38 = arith.constant 0 : i32
    %dma_start3A_39 = tpu.memref_slice %arg2[%dma_start3A_37, %dma_start3A_38] : memref<100000x128xi32, #tpu.memory_space<hbm>> -> memref<100000x128xi32, #tpu.memory_space<hbm>>
    tpu.enqueue_indirect_dma source(%dma_start3A_39 : memref<100000x128xi32, #tpu.memory_space<hbm>>) target(%arg6 : memref<100x128xi32, #tpu.memory_space<vmem>>) offsets(%dma_start3A_36 : memref<100xi32, #tpu.memory_space<vmem>>) semaphore(%arg11 : memref<!tpu.dma_semaphore, #tpu.memory_space<semaphore_mem>>)
    %dma_start3A_40 = arith.constant 1 : i32
    %dma_start3A_41 = arith.constant 0 : i32
    %dma_start3A_42 = tpu.memref_slice %arg5[%dma_start3A_40, %dma_start3A_41] : memref<256x100xi32, #tpu.memory_space<vmem>> -> memref<1x100xi32, #tpu.memory_space<vmem>>
    %dma_start3A_43 = tpu.memref_squeeze %dma_start3A_42 : memref<1x100xi32, #tpu.memory_space<vmem>> -> memref<100xi32, #tpu.memory_space<vmem>>
    %dma_start3A_44 = arith.constant 0 : i32
    %dma_start3A_45 = arith.constant 0 : i32
    %dma_start3A_46 = tpu.memref_slice %arg2[%dma_start3A_44, %dma_start3A_45] : memref<100000x128xi32, #tpu.memory_space<hbm>> -> memref<100000x128xi32, #tpu.memory_space<hbm>>
    tpu.enqueue_indirect_dma source(%dma_start3A_46 : memref<100000x128xi32, #tpu.memory_space<hbm>>) target(%arg7 : memref<100x128xi32, #tpu.memory_space<vmem>>) offsets(%dma_start3A_43 : memref<100xi32, #tpu.memory_space<vmem>>) semaphore(%arg12 : memref<!tpu.dma_semaphore, #tpu.memory_space<semaphore_mem>>)
    %dma_start3A_47 = arith.constant 2 : i32
    %dma_start3A_48 = arith.constant 0 : i32
    %dma_start3A_49 = tpu.memref_slice %arg5[%dma_start3A_47, %dma_start3A_48] : memref<256x100xi32, #tpu.memory_space<vmem>> -> memref<1x100xi32, #tpu.memory_space<vmem>>
    %dma_start3A_50 = tpu.memref_squeeze %dma_start3A_49 : memref<1x100xi32, #tpu.memory_space<vmem>> -> memref<100xi32, #tpu.memory_space<vmem>>
    %dma_start3A_51 = arith.constant 0 : i32
    %dma_start3A_52 = arith.constant 0 : i32
    %dma_start3A_53 = tpu.memref_slice %arg2[%dma_start3A_51, %dma_start3A_52] : memref<100000x128xi32, #tpu.memory_space<hbm>> -> memref<100000x128xi32, #tpu.memory_space<hbm>>
    tpu.enqueue_indirect_dma source(%dma_start3A_53 : memref<100000x128xi32, #tpu.memory_space<hbm>>) target(%arg8 : memref<100x128xi32, #tpu.memory_space<vmem>>) offsets(%dma_start3A_50 : memref<100xi32, #tpu.memory_space<vmem>>) semaphore(%arg13 : memref<!tpu.dma_semaphore, #tpu.memory_space<semaphore_mem>>)
    %dma_start3A_54 = arith.constant 3 : i32
    %dma_start3A_55 = arith.constant 0 : i32
    %dma_start3A_56 = tpu.memref_slice %arg5[%dma_start3A_54, %dma_start3A_55] : memref<256x100xi32, #tpu.memory_space<vmem>> -> memref<1x100xi32, #tpu.memory_space<vmem>>
    %dma_start3A_57 = tpu.memref_squeeze %dma_start3A_56 : memref<1x100xi32, #tpu.memory_space<vmem>> -> memref<100xi32, #tpu.memory_space<vmem>>
    %dma_start3A_58 = arith.constant 0 : i32
    %dma_start3A_59 = arith.constant 0 : i32
    %dma_start3A_60 = tpu.memref_slice %arg2[%dma_start3A_58, %dma_start3A_59] : memref<100000x128xi32, #tpu.memory_space<hbm>> -> memref<100000x128xi32, #tpu.memory_space<hbm>>
    tpu.enqueue_indirect_dma source(%dma_start3A_60 : memref<100000x128xi32, #tpu.memory_space<hbm>>) target(%arg9 : memref<100x128xi32, #tpu.memory_space<vmem>>) offsets(%dma_start3A_57 : memref<100xi32, #tpu.memory_space<vmem>>) semaphore(%arg14 : memref<!tpu.dma_semaphore, #tpu.memory_space<semaphore_mem>>)
    %scan3A = arith.constant 0 : i32
    %scan3A_61 = arith.constant 0 : i32
    %scan3A_62 = arith.constant 64 : i32
    %scan3A_63 = arith.addi %scan3A_61, %scan3A_62 : i32
    %scan3A_64 = arith.constant 1 : i32
    %scan3A_65 = scf.for %scan3A_69 = %scan3A_61 to %scan3A_63 step %scan3A_64 iter_args(%scan3A_70 = %scan3A) -> (i32)  : i32 {
      %mul3A_71 = arith.constant 4 : i32
      %mul3A_72 = arith.muli %mul3A_71, %scan3A_69 : i32
      %dma_wait3A = arith.constant 0 : i32
      %dma_wait3A_73 = tpu.memref_slice %arg5[%mul3A_72, %dma_wait3A] : memref<256x100xi32, #tpu.memory_space<vmem>> -> memref<1x100xi32, #tpu.memory_space<vmem>>
      %dma_wait3A_74 = tpu.memref_squeeze %dma_wait3A_73 : memref<1x100xi32, #tpu.memory_space<vmem>> -> memref<100xi32, #tpu.memory_space<vmem>>
      %dma_wait3A_75 = arith.constant 0 : i32
      %dma_wait3A_76 = arith.constant 0 : i32
      %dma_wait3A_77 = tpu.memref_slice %arg2[%dma_wait3A_75, %dma_wait3A_76] : memref<100000x128xi32, #tpu.memory_space<hbm>> -> memref<100000x128xi32, #tpu.memory_space<hbm>>
      tpu.wait_indirect_dma semaphore(%arg11 : memref<!tpu.dma_semaphore, #tpu.memory_space<semaphore_mem>>) src(%dma_wait3A_77 : memref<100000x128xi32, #tpu.memory_space<hbm>>) dst(%arg6 : memref<100x128xi32, #tpu.memory_space<vmem>>)
      %scan3A_78 = arith.constant 0 : i32
      %scan3A_79 = arith.constant 100 : i32
      %scan3A_80 = arith.addi %scan3A_78, %scan3A_79 : i32
      %scan3A_81 = arith.constant 1 : i32
      %scan3A_82:16 = scf.for %scan3A_395 = %scan3A_78 to %scan3A_80 step %scan3A_81 iter_args(%scan3A_396 = %broadcast_in_dim3A_3, %scan3A_397 = %broadcast_in_dim3A_5, %scan3A_398 = %broadcast_in_dim3A_7, %scan3A_399 = %broadcast_in_dim3A_9, %scan3A_400 = %broadcast_in_dim3A_11, %scan3A_401 = %broadcast_in_dim3A_13, %scan3A_402 = %broadcast_in_dim3A_15, %scan3A_403 = %broadcast_in_dim3A_17, %scan3A_404 = %broadcast_in_dim3A_19, %scan3A_405 = %broadcast_in_dim3A_21, %scan3A_406 = %broadcast_in_dim3A_23, %scan3A_407 = %broadcast_in_dim3A_25, %scan3A_408 = %broadcast_in_dim3A_27, %scan3A_409 = %broadcast_in_dim3A_29, %scan3A_410 = %broadcast_in_dim3A_31, %scan3A_411 = %broadcast_in_dim3A_33) -> (vector<16xf32>, vector<16xf32>, vector<16xf32>, vector<16xf32>, vector<16xf32>, vector<16xf32>, vector<16xf32>, vector<16xf32>, vector<16xf32>, vector<16xf32>, vector<16xf32>, vector<16xf32>, vector<16xf32>, vector<16xf32>, vector<16xf32>, vector<16xf32>)  : i32 {
        %get3A = arith.index_cast %scan3A_395 : i32 to index
        %get3A_412 = arith.constant 0 : index
        %get3A_413 = tpu.vector_load %arg6[%get3A, %get3A_412] {strides = array<i32>} : memref<100x128xi32, #tpu.memory_space<vmem>>, vector<1x16xi32>,
        %get3A_414 = vector.shape_cast %get3A_413 : vector<1x16xi32> to vector<16xi32>
        %shift_left3A = arith.constant 16 : i32
        %shift_left3A_415 = vector.broadcast %shift_left3A : i32 to vector<16xi32>
        %shift_left3A_416 = arith.shli %get3A_414, %shift_left3A_415 : vector<16xi32>
        %bitcast_convert_type3A = tpu.bitcast %shift_left3A_416 : vector<16xi32> -> vector<16xf32>
        %add3A_417 = arith.addf %scan3A_396, %bitcast_convert_type3A : vector<16xf32>
        %bitcast_convert_type3A_418 = tpu.bitcast %get3A_414 : vector<16xi32> -> vector<16xf32>
        %add3A_419 = arith.addf %scan3A_404, %bitcast_convert_type3A_418 : vector<16xf32>
        %get3A_420 = arith.index_cast %scan3A_395 : i32 to index
        %get3A_421 = arith.constant 16 : index
        %get3A_422 = tpu.vector_load %arg6[%get3A_420, %get3A_421] {strides = array<i32>} : memref<100x128xi32, #tpu.memory_space<vmem>>, vector<1x16xi32>,
        %get3A_423 = vector.shape_cast %get3A_422 : vector<1x16xi32> to vector<16xi32>
        %shift_left3A_424 = arith.constant 16 : i32
        %shift_left3A_425 = vector.broadcast %shift_left3A_424 : i32 to vector<16xi32>
        %shift_left3A_426 = arith.shli %get3A_423, %shift_left3A_425 : vector<16xi32>
        %bitcast_convert_type3A_427 = tpu.bitcast %shift_left3A_426 : vector<16xi32> -> vector<16xf32>
        %add3A_428 = arith.addf %scan3A_397, %bitcast_convert_type3A_427 : vector<16xf32>
        %bitcast_convert_type3A_429 = tpu.bitcast %get3A_423 : vector<16xi32> -> vector<16xf32>
        %add3A_430 = arith.addf %scan3A_405, %bitcast_convert_type3A_429 : vector<16xf32>
        %get3A_431 = arith.index_cast %scan3A_395 : i32 to index
        %get3A_432 = arith.constant 32 : index
        %get3A_433 = tpu.vector_load %arg6[%get3A_431, %get3A_432] {strides = array<i32>} : memref<100x128xi32, #tpu.memory_space<vmem>>, vector<1x16xi32>,
        %get3A_434 = vector.shape_cast %get3A_433 : vector<1x16xi32> to vector<16xi32>
        %shift_left3A_435 = arith.constant 16 : i32
        %shift_left3A_436 = vector.broadcast %shift_left3A_435 : i32 to vector<16xi32>
        %shift_left3A_437 = arith.shli %get3A_434, %shift_left3A_436 : vector<16xi32>
        %bitcast_convert_type3A_438 = tpu.bitcast %shift_left3A_437 : vector<16xi32> -> vector<16xf32>
        %add3A_439 = arith.addf %scan3A_398, %bitcast_convert_type3A_438 : vector<16xf32>
        %bitcast_convert_type3A_440 = tpu.bitcast %get3A_434 : vector<16xi32> -> vector<16xf32>
        %add3A_441 = arith.addf %scan3A_406, %bitcast_convert_type3A_440 : vector<16xf32>
        %get3A_442 = arith.index_cast %scan3A_395 : i32 to index
        %get3A_443 = arith.constant 48 : index
        %get3A_444 = tpu.vector_load %arg6[%get3A_442, %get3A_443] {strides = array<i32>} : memref<100x128xi32, #tpu.memory_space<vmem>>, vector<1x16xi32>,
        %get3A_445 = vector.shape_cast %get3A_444 : vector<1x16xi32> to vector<16xi32>
        %shift_left3A_446 = arith.constant 16 : i32
        %shift_left3A_447 = vector.broadcast %shift_left3A_446 : i32 to vector<16xi32>
        %shift_left3A_448 = arith.shli %get3A_445, %shift_left3A_447 : vector<16xi32>
        %bitcast_convert_type3A_449 = tpu.bitcast %shift_left3A_448 : vector<16xi32> -> vector<16xf32>
        %add3A_450 = arith.addf %scan3A_399, %bitcast_convert_type3A_449 : vector<16xf32>
        %bitcast_convert_type3A_451 = tpu.bitcast %get3A_445 : vector<16xi32> -> vector<16xf32>
        %add3A_452 = arith.addf %scan3A_407, %bitcast_convert_type3A_451 : vector<16xf32>
        %get3A_453 = arith.index_cast %scan3A_395 : i32 to index
        %get3A_454 = arith.constant 64 : index
        %get3A_455 = tpu.vector_load %arg6[%get3A_453, %get3A_454] {strides = array<i32>} : memref<100x128xi32, #tpu.memory_space<vmem>>, vector<1x16xi32>,
        %get3A_456 = vector.shape_cast %get3A_455 : vector<1x16xi32> to vector<16xi32>
        %shift_left3A_457 = arith.constant 16 : i32
        %shift_left3A_458 = vector.broadcast %shift_left3A_457 : i32 to vector<16xi32>
        %shift_left3A_459 = arith.shli %get3A_456, %shift_left3A_458 : vector<16xi32>
        %bitcast_convert_type3A_460 = tpu.bitcast %shift_left3A_459 : vector<16xi32> -> vector<16xf32>
        %add3A_461 = arith.addf %scan3A_400, %bitcast_convert_type3A_460 : vector<16xf32>
        %bitcast_convert_type3A_462 = tpu.bitcast %get3A_456 : vector<16xi32> -> vector<16xf32>
        %add3A_463 = arith.addf %scan3A_408, %bitcast_convert_type3A_462 : vector<16xf32>
        %get3A_464 = arith.index_cast %scan3A_395 : i32 to index
        %get3A_465 = arith.constant 80 : index
        %get3A_466 = tpu.vector_load %arg6[%get3A_464, %get3A_465] {strides = array<i32>} : memref<100x128xi32, #tpu.memory_space<vmem>>, vector<1x16xi32>,
        %get3A_467 = vector.shape_cast %get3A_466 : vector<1x16xi32> to vector<16xi32>
        %shift_left3A_468 = arith.constant 16 : i32
        %shift_left3A_469 = vector.broadcast %shift_left3A_468 : i32 to vector<16xi32>
        %shift_left3A_470 = arith.shli %get3A_467, %shift_left3A_469 : vector<16xi32>
        %bitcast_convert_type3A_471 = tpu.bitcast %shift_left3A_470 : vector<16xi32> -> vector<16xf32>
        %add3A_472 = arith.addf %scan3A_401, %bitcast_convert_type3A_471 : vector<16xf32>
        %bitcast_convert_type3A_473 = tpu.bitcast %get3A_467 : vector<16xi32> -> vector<16xf32>
        %add3A_474 = arith.addf %scan3A_409, %bitcast_convert_type3A_473 : vector<16xf32>
        %get3A_475 = arith.index_cast %scan3A_395 : i32 to index
        %get3A_476 = arith.constant 96 : index
        %get3A_477 = tpu.vector_load %arg6[%get3A_475, %get3A_476] {strides = array<i32>} : memref<100x128xi32, #tpu.memory_space<vmem>>, vector<1x16xi32>,
        %get3A_478 = vector.shape_cast %get3A_477 : vector<1x16xi32> to vector<16xi32>
        %shift_left3A_479 = arith.constant 16 : i32
        %shift_left3A_480 = vector.broadcast %shift_left3A_479 : i32 to vector<16xi32>
        %shift_left3A_481 = arith.shli %get3A_478, %shift_left3A_480 : vector<16xi32>
        %bitcast_convert_type3A_482 = tpu.bitcast %shift_left3A_481 : vector<16xi32> -> vector<16xf32>
        %add3A_483 = arith.addf %scan3A_402, %bitcast_convert_type3A_482 : vector<16xf32>
        %bitcast_convert_type3A_484 = tpu.bitcast %get3A_478 : vector<16xi32> -> vector<16xf32>
        %add3A_485 = arith.addf %scan3A_410, %bitcast_convert_type3A_484 : vector<16xf32>
        %get3A_486 = arith.index_cast %scan3A_395 : i32 to index
        %get3A_487 = arith.constant 112 : index
        %get3A_488 = tpu.vector_load %arg6[%get3A_486, %get3A_487] {strides = array<i32>} : memref<100x128xi32, #tpu.memory_space<vmem>>, vector<1x16xi32>,
        %get3A_489 = vector.shape_cast %get3A_488 : vector<1x16xi32> to vector<16xi32>
        %shift_left3A_490 = arith.constant 16 : i32
        %shift_left3A_491 = vector.broadcast %shift_left3A_490 : i32 to vector<16xi32>
        %shift_left3A_492 = arith.shli %get3A_489, %shift_left3A_491 : vector<16xi32>
        %bitcast_convert_type3A_493 = tpu.bitcast %shift_left3A_492 : vector<16xi32> -> vector<16xf32>
        %add3A_494 = arith.addf %scan3A_403, %bitcast_convert_type3A_493 : vector<16xf32>
        %bitcast_convert_type3A_495 = tpu.bitcast %get3A_489 : vector<16xi32> -> vector<16xf32>
        %add3A_496 = arith.addf %scan3A_411, %bitcast_convert_type3A_495 : vector<16xf32>
        scf.yield %add3A_417, %add3A_428, %add3A_439, %add3A_450, %add3A_461, %add3A_472, %add3A_483, %add3A_494, %add3A_419, %add3A_430, %add3A_441, %add3A_452, %add3A_463, %add3A_474, %add3A_485, %add3A_496 : vector<16xf32>, vector<16xf32>, vector<16xf32>, vector<16xf32>, vector<16xf32>, vector<16xf32>, vector<16xf32>, vector<16xf32>, vector<16xf32>, vector<16xf32>, vector<16xf32>, vector<16xf32>, vector<16xf32>, vector<16xf32>, vector<16xf32>, vector<16xf32>
      }
      %scan3A_83 = arith.constant 100 : i32
      %add3A_84 = arith.constant 1 : i32
      %add3A_85 = arith.addi %mul3A_72, %add3A_84 : i32
      %dma_wait3A_86 = arith.constant 0 : i32
      %dma_wait3A_87 = tpu.memref_slice %arg5[%add3A_85, %dma_wait3A_86] : memref<256x100xi32, #tpu.memory_space<vmem>> -> memref<1x100xi32, #tpu.memory_space<vmem>>
      %dma_wait3A_88 = tpu.memref_squeeze %dma_wait3A_87 : memref<1x100xi32, #tpu.memory_space<vmem>> -> memref<100xi32, #tpu.memory_space<vmem>>
      %dma_wait3A_89 = arith.constant 0 : i32
      %dma_wait3A_90 = arith.constant 0 : i32
      %dma_wait3A_91 = tpu.memref_slice %arg2[%dma_wait3A_89, %dma_wait3A_90] : memref<100000x128xi32, #tpu.memory_space<hbm>> -> memref<100000x128xi32, #tpu.memory_space<hbm>>
      tpu.wait_indirect_dma semaphore(%arg12 : memref<!tpu.dma_semaphore, #tpu.memory_space<semaphore_mem>>) src(%dma_wait3A_91 : memref<100000x128xi32, #tpu.memory_space<hbm>>) dst(%arg7 : memref<100x128xi32, #tpu.memory_space<vmem>>)
      %scan3A_92 = arith.constant 0 : i32
      %scan3A_93 = arith.constant 100 : i32
      %scan3A_94 = arith.addi %scan3A_92, %scan3A_93 : i32
      %scan3A_95 = arith.constant 1 : i32
      %scan3A_96:16 = scf.for %scan3A_395 = %scan3A_92 to %scan3A_94 step %scan3A_95 iter_args(%scan3A_396 = %scan3A_82#0, %scan3A_397 = %scan3A_82#1, %scan3A_398 = %scan3A_82#2, %scan3A_399 = %scan3A_82#3, %scan3A_400 = %scan3A_82#4, %scan3A_401 = %scan3A_82#5, %scan3A_402 = %scan3A_82#6, %scan3A_403 = %scan3A_82#7, %scan3A_404 = %scan3A_82#8, %scan3A_405 = %scan3A_82#9, %scan3A_406 = %scan3A_82#10, %scan3A_407 = %scan3A_82#11, %scan3A_408 = %scan3A_82#12, %scan3A_409 = %scan3A_82#13, %scan3A_410 = %scan3A_82#14, %scan3A_411 = %scan3A_82#15) -> (vector<16xf32>, vector<16xf32>, vector<16xf32>, vector<16xf32>, vector<16xf32>, vector<16xf32>, vector<16xf32>, vector<16xf32>, vector<16xf32>, vector<16xf32>, vector<16xf32>, vector<16xf32>, vector<16xf32>, vector<16xf32>, vector<16xf32>, vector<16xf32>)  : i32 {
        %get3A = arith.index_cast %scan3A_395 : i32 to index
        %get3A_412 = arith.constant 0 : index
        %get3A_413 = tpu.vector_load %arg7[%get3A, %get3A_412] {strides = array<i32>} : memref<100x128xi32, #tpu.memory_space<vmem>>, vector<1x16xi32>,
        %get3A_414 = vector.shape_cast %get3A_413 : vector<1x16xi32> to vector<16xi32>
        %shift_left3A = arith.constant 16 : i32
        %shift_left3A_415 = vector.broadcast %shift_left3A : i32 to vector<16xi32>
        %shift_left3A_416 = arith.shli %get3A_414, %shift_left3A_415 : vector<16xi32>
        %bitcast_convert_type3A = tpu.bitcast %shift_left3A_416 : vector<16xi32> -> vector<16xf32>
        %add3A_417 = arith.addf %scan3A_396, %bitcast_convert_type3A : vector<16xf32>
        %bitcast_convert_type3A_418 = tpu.bitcast %get3A_414 : vector<16xi32> -> vector<16xf32>
        %add3A_419 = arith.addf %scan3A_404, %bitcast_convert_type3A_418 : vector<16xf32>
        %get3A_420 = arith.index_cast %scan3A_395 : i32 to index
        %get3A_421 = arith.constant 16 : index
        %get3A_422 = tpu.vector_load %arg7[%get3A_420, %get3A_421] {strides = array<i32>} : memref<100x128xi32, #tpu.memory_space<vmem>>, vector<1x16xi32>,
        %get3A_423 = vector.shape_cast %get3A_422 : vector<1x16xi32> to vector<16xi32>
        %shift_left3A_424 = arith.constant 16 : i32
        %shift_left3A_425 = vector.broadcast %shift_left3A_424 : i32 to vector<16xi32>
        %shift_left3A_426 = arith.shli %get3A_423, %shift_left3A_425 : vector<16xi32>
        %bitcast_convert_type3A_427 = tpu.bitcast %shift_left3A_426 : vector<16xi32> -> vector<16xf32>
        %add3A_428 = arith.addf %scan3A_397, %bitcast_convert_type3A_427 : vector<16xf32>
        %bitcast_convert_type3A_429 = tpu.bitcast %get3A_423 : vector<16xi32> -> vector<16xf32>
        %add3A_430 = arith.addf %scan3A_405, %bitcast_convert_type3A_429 : vector<16xf32>
        %get3A_431 = arith.index_cast %scan3A_395 : i32 to index
        %get3A_432 = arith.constant 32 : index
        %get3A_433 = tpu.vector_load %arg7[%get3A_431, %get3A_432] {strides = array<i32>} : memref<100x128xi32, #tpu.memory_space<vmem>>, vector<1x16xi32>,
        %get3A_434 = vector.shape_cast %get3A_433 : vector<1x16xi32> to vector<16xi32>
        %shift_left3A_435 = arith.constant 16 : i32
        %shift_left3A_436 = vector.broadcast %shift_left3A_435 : i32 to vector<16xi32>
        %shift_left3A_437 = arith.shli %get3A_434, %shift_left3A_436 : vector<16xi32>
        %bitcast_convert_type3A_438 = tpu.bitcast %shift_left3A_437 : vector<16xi32> -> vector<16xf32>
        %add3A_439 = arith.addf %scan3A_398, %bitcast_convert_type3A_438 : vector<16xf32>
        %bitcast_convert_type3A_440 = tpu.bitcast %get3A_434 : vector<16xi32> -> vector<16xf32>
        %add3A_441 = arith.addf %scan3A_406, %bitcast_convert_type3A_440 : vector<16xf32>
        %get3A_442 = arith.index_cast %scan3A_395 : i32 to index
        %get3A_443 = arith.constant 48 : index
        %get3A_444 = tpu.vector_load %arg7[%get3A_442, %get3A_443] {strides = array<i32>} : memref<100x128xi32, #tpu.memory_space<vmem>>, vector<1x16xi32>,
        %get3A_445 = vector.shape_cast %get3A_444 : vector<1x16xi32> to vector<16xi32>
        %shift_left3A_446 = arith.constant 16 : i32
        %shift_left3A_447 = vector.broadcast %shift_left3A_446 : i32 to vector<16xi32>
        %shift_left3A_448 = arith.shli %get3A_445, %shift_left3A_447 : vector<16xi32>
        %bitcast_convert_type3A_449 = tpu.bitcast %shift_left3A_448 : vector<16xi32> -> vector<16xf32>
        %add3A_450 = arith.addf %scan3A_399, %bitcast_convert_type3A_449 : vector<16xf32>
        %bitcast_convert_type3A_451 = tpu.bitcast %get3A_445 : vector<16xi32> -> vector<16xf32>
        %add3A_452 = arith.addf %scan3A_407, %bitcast_convert_type3A_451 : vector<16xf32>
        %get3A_453 = arith.index_cast %scan3A_395 : i32 to index
        %get3A_454 = arith.constant 64 : index
        %get3A_455 = tpu.vector_load %arg7[%get3A_453, %get3A_454] {strides = array<i32>} : memref<100x128xi32, #tpu.memory_space<vmem>>, vector<1x16xi32>,
        %get3A_456 = vector.shape_cast %get3A_455 : vector<1x16xi32> to vector<16xi32>
        %shift_left3A_457 = arith.constant 16 : i32
        %shift_left3A_458 = vector.broadcast %shift_left3A_457 : i32 to vector<16xi32>
        %shift_left3A_459 = arith.shli %get3A_456, %shift_left3A_458 : vector<16xi32>
        %bitcast_convert_type3A_460 = tpu.bitcast %shift_left3A_459 : vector<16xi32> -> vector<16xf32>
        %add3A_461 = arith.addf %scan3A_400, %bitcast_convert_type3A_460 : vector<16xf32>
        %bitcast_convert_type3A_462 = tpu.bitcast %get3A_456 : vector<16xi32> -> vector<16xf32>
        %add3A_463 = arith.addf %scan3A_408, %bitcast_convert_type3A_462 : vector<16xf32>
        %get3A_464 = arith.index_cast %scan3A_395 : i32 to index
        %get3A_465 = arith.constant 80 : index
        %get3A_466 = tpu.vector_load %arg7[%get3A_464, %get3A_465] {strides = array<i32>} : memref<100x128xi32, #tpu.memory_space<vmem>>, vector<1x16xi32>,
        %get3A_467 = vector.shape_cast %get3A_466 : vector<1x16xi32> to vector<16xi32>
        %shift_left3A_468 = arith.constant 16 : i32
        %shift_left3A_469 = vector.broadcast %shift_left3A_468 : i32 to vector<16xi32>
        %shift_left3A_470 = arith.shli %get3A_467, %shift_left3A_469 : vector<16xi32>
        %bitcast_convert_type3A_471 = tpu.bitcast %shift_left3A_470 : vector<16xi32> -> vector<16xf32>
        %add3A_472 = arith.addf %scan3A_401, %bitcast_convert_type3A_471 : vector<16xf32>
        %bitcast_convert_type3A_473 = tpu.bitcast %get3A_467 : vector<16xi32> -> vector<16xf32>
        %add3A_474 = arith.addf %scan3A_409, %bitcast_convert_type3A_473 : vector<16xf32>
        %get3A_475 = arith.index_cast %scan3A_395 : i32 to index
        %get3A_476 = arith.constant 96 : index
        %get3A_477 = tpu.vector_load %arg7[%get3A_475, %get3A_476] {strides = array<i32>} : memref<100x128xi32, #tpu.memory_space<vmem>>, vector<1x16xi32>,
        %get3A_478 = vector.shape_cast %get3A_477 : vector<1x16xi32> to vector<16xi32>
        %shift_left3A_479 = arith.constant 16 : i32
        %shift_left3A_480 = vector.broadcast %shift_left3A_479 : i32 to vector<16xi32>
        %shift_left3A_481 = arith.shli %get3A_478, %shift_left3A_480 : vector<16xi32>
        %bitcast_convert_type3A_482 = tpu.bitcast %shift_left3A_481 : vector<16xi32> -> vector<16xf32>
        %add3A_483 = arith.addf %scan3A_402, %bitcast_convert_type3A_482 : vector<16xf32>
        %bitcast_convert_type3A_484 = tpu.bitcast %get3A_478 : vector<16xi32> -> vector<16xf32>
        %add3A_485 = arith.addf %scan3A_410, %bitcast_convert_type3A_484 : vector<16xf32>
        %get3A_486 = arith.index_cast %scan3A_395 : i32 to index
        %get3A_487 = arith.constant 112 : index
        %get3A_488 = tpu.vector_load %arg7[%get3A_486, %get3A_487] {strides = array<i32>} : memref<100x128xi32, #tpu.memory_space<vmem>>, vector<1x16xi32>,
        %get3A_489 = vector.shape_cast %get3A_488 : vector<1x16xi32> to vector<16xi32>
        %shift_left3A_490 = arith.constant 16 : i32
        %shift_left3A_491 = vector.broadcast %shift_left3A_490 : i32 to vector<16xi32>
        %shift_left3A_492 = arith.shli %get3A_489, %shift_left3A_491 : vector<16xi32>
        %bitcast_convert_type3A_493 = tpu.bitcast %shift_left3A_492 : vector<16xi32> -> vector<16xf32>
        %add3A_494 = arith.addf %scan3A_403, %bitcast_convert_type3A_493 : vector<16xf32>
        %bitcast_convert_type3A_495 = tpu.bitcast %get3A_489 : vector<16xi32> -> vector<16xf32>
        %add3A_496 = arith.addf %scan3A_411, %bitcast_convert_type3A_495 : vector<16xf32>
        scf.yield %add3A_417, %add3A_428, %add3A_439, %add3A_450, %add3A_461, %add3A_472, %add3A_483, %add3A_494, %add3A_419, %add3A_430, %add3A_441, %add3A_452, %add3A_463, %add3A_474, %add3A_485, %add3A_496 : vector<16xf32>, vector<16xf32>, vector<16xf32>, vector<16xf32>, vector<16xf32>, vector<16xf32>, vector<16xf32>, vector<16xf32>, vector<16xf32>, vector<16xf32>, vector<16xf32>, vector<16xf32>, vector<16xf32>, vector<16xf32>, vector<16xf32>, vector<16xf32>
      }
      %scan3A_97 = arith.constant 100 : i32
      %mul3A_98 = arith.constant 2 : i32
      %mul3A_99 = arith.muli %mul3A_98, %scan3A_69 : i32
      %mul3A_100 = arith.constant 5.000000e-03 : f32
      %mul3A_101 = vector.broadcast %mul3A_100 : f32 to vector<16xf32>
      %mul3A_102 = arith.mulf %scan3A_96#0, %mul3A_101 : vector<16xf32>
      %swap3A = arith.index_cast %mul3A_99 : i32 to index
      %swap3A_103 = arith.constant 0 : index
      %swap3A_104 = tpu.vector_load %arg10[%swap3A, %swap3A_103] {strides = array<i32>} : memref<128x256xf32, #tpu.memory_space<vmem>>, vector<1x16xf32>,
      %swap3A_105 = vector.shape_cast %swap3A_104 : vector<1x16xf32> to vector<16xf32>
      %swap3A_106 = vector.shape_cast %mul3A_102 : vector<16xf32> to vector<1x16xf32>
      tpu.vector_store %arg10[%swap3A, %swap3A_103], %swap3A_106 {strides = array<i32>} : memref<128x256xf32, #tpu.memory_space<vmem>>, vector<1x16xf32>,
      %mul3A_107 = arith.constant 5.000000e-03 : f32
      %mul3A_108 = vector.broadcast %mul3A_107 : f32 to vector<16xf32>
      %mul3A_109 = arith.mulf %scan3A_96#1, %mul3A_108 : vector<16xf32>
      %swap3A_110 = arith.index_cast %mul3A_99 : i32 to index
      %swap3A_111 = arith.constant 16 : index
      %swap3A_112 = tpu.vector_load %arg10[%swap3A_110, %swap3A_111] {strides = array<i32>} : memref<128x256xf32, #tpu.memory_space<vmem>>, vector<1x16xf32>,
      %swap3A_113 = vector.shape_cast %swap3A_112 : vector<1x16xf32> to vector<16xf32>
      %swap3A_114 = vector.shape_cast %mul3A_109 : vector<16xf32> to vector<1x16xf32>
      tpu.vector_store %arg10[%swap3A_110, %swap3A_111], %swap3A_114 {strides = array<i32>} : memref<128x256xf32, #tpu.memory_space<vmem>>, vector<1x16xf32>,
      %mul3A_115 = arith.constant 5.000000e-03 : f32
      %mul3A_116 = vector.broadcast %mul3A_115 : f32 to vector<16xf32>
      %mul3A_117 = arith.mulf %scan3A_96#2, %mul3A_116 : vector<16xf32>
      %swap3A_118 = arith.index_cast %mul3A_99 : i32 to index
      %swap3A_119 = arith.constant 32 : index
      %swap3A_120 = tpu.vector_load %arg10[%swap3A_118, %swap3A_119] {strides = array<i32>} : memref<128x256xf32, #tpu.memory_space<vmem>>, vector<1x16xf32>,
      %swap3A_121 = vector.shape_cast %swap3A_120 : vector<1x16xf32> to vector<16xf32>
      %swap3A_122 = vector.shape_cast %mul3A_117 : vector<16xf32> to vector<1x16xf32>
      tpu.vector_store %arg10[%swap3A_118, %swap3A_119], %swap3A_122 {strides = array<i32>} : memref<128x256xf32, #tpu.memory_space<vmem>>, vector<1x16xf32>,
      %mul3A_123 = arith.constant 5.000000e-03 : f32
      %mul3A_124 = vector.broadcast %mul3A_123 : f32 to vector<16xf32>
      %mul3A_125 = arith.mulf %scan3A_96#3, %mul3A_124 : vector<16xf32>
      %swap3A_126 = arith.index_cast %mul3A_99 : i32 to index
      %swap3A_127 = arith.constant 48 : index
      %swap3A_128 = tpu.vector_load %arg10[%swap3A_126, %swap3A_127] {strides = array<i32>} : memref<128x256xf32, #tpu.memory_space<vmem>>, vector<1x16xf32>,
      %swap3A_129 = vector.shape_cast %swap3A_128 : vector<1x16xf32> to vector<16xf32>
      %swap3A_130 = vector.shape_cast %mul3A_125 : vector<16xf32> to vector<1x16xf32>
      tpu.vector_store %arg10[%swap3A_126, %swap3A_127], %swap3A_130 {strides = array<i32>} : memref<128x256xf32, #tpu.memory_space<vmem>>, vector<1x16xf32>,
      %mul3A_131 = arith.constant 5.000000e-03 : f32
      %mul3A_132 = vector.broadcast %mul3A_131 : f32 to vector<16xf32>
      %mul3A_133 = arith.mulf %scan3A_96#4, %mul3A_132 : vector<16xf32>
      %swap3A_134 = arith.index_cast %mul3A_99 : i32 to index
      %swap3A_135 = arith.constant 64 : index
      %swap3A_136 = tpu.vector_load %arg10[%swap3A_134, %swap3A_135] {strides = array<i32>} : memref<128x256xf32, #tpu.memory_space<vmem>>, vector<1x16xf32>,
      %swap3A_137 = vector.shape_cast %swap3A_136 : vector<1x16xf32> to vector<16xf32>
      %swap3A_138 = vector.shape_cast %mul3A_133 : vector<16xf32> to vector<1x16xf32>
      tpu.vector_store %arg10[%swap3A_134, %swap3A_135], %swap3A_138 {strides = array<i32>} : memref<128x256xf32, #tpu.memory_space<vmem>>, vector<1x16xf32>,
      %mul3A_139 = arith.constant 5.000000e-03 : f32
      %mul3A_140 = vector.broadcast %mul3A_139 : f32 to vector<16xf32>
      %mul3A_141 = arith.mulf %scan3A_96#5, %mul3A_140 : vector<16xf32>
      %swap3A_142 = arith.index_cast %mul3A_99 : i32 to index
      %swap3A_143 = arith.constant 80 : index
      %swap3A_144 = tpu.vector_load %arg10[%swap3A_142, %swap3A_143] {strides = array<i32>} : memref<128x256xf32, #tpu.memory_space<vmem>>, vector<1x16xf32>,
      %swap3A_145 = vector.shape_cast %swap3A_144 : vector<1x16xf32> to vector<16xf32>
      %swap3A_146 = vector.shape_cast %mul3A_141 : vector<16xf32> to vector<1x16xf32>
      tpu.vector_store %arg10[%swap3A_142, %swap3A_143], %swap3A_146 {strides = array<i32>} : memref<128x256xf32, #tpu.memory_space<vmem>>, vector<1x16xf32>,
      %mul3A_147 = arith.constant 5.000000e-03 : f32
      %mul3A_148 = vector.broadcast %mul3A_147 : f32 to vector<16xf32>
      %mul3A_149 = arith.mulf %scan3A_96#6, %mul3A_148 : vector<16xf32>
      %swap3A_150 = arith.index_cast %mul3A_99 : i32 to index
      %swap3A_151 = arith.constant 96 : index
      %swap3A_152 = tpu.vector_load %arg10[%swap3A_150, %swap3A_151] {strides = array<i32>} : memref<128x256xf32, #tpu.memory_space<vmem>>, vector<1x16xf32>,
      %swap3A_153 = vector.shape_cast %swap3A_152 : vector<1x16xf32> to vector<16xf32>
      %swap3A_154 = vector.shape_cast %mul3A_149 : vector<16xf32> to vector<1x16xf32>
      tpu.vector_store %arg10[%swap3A_150, %swap3A_151], %swap3A_154 {strides = array<i32>} : memref<128x256xf32, #tpu.memory_space<vmem>>, vector<1x16xf32>,
      %mul3A_155 = arith.constant 5.000000e-03 : f32
      %mul3A_156 = vector.broadcast %mul3A_155 : f32 to vector<16xf32>
      %mul3A_157 = arith.mulf %scan3A_96#7, %mul3A_156 : vector<16xf32>
      %swap3A_158 = arith.index_cast %mul3A_99 : i32 to index
      %swap3A_159 = arith.constant 112 : index
      %swap3A_160 = tpu.vector_load %arg10[%swap3A_158, %swap3A_159] {strides = array<i32>} : memref<128x256xf32, #tpu.memory_space<vmem>>, vector<1x16xf32>,
      %swap3A_161 = vector.shape_cast %swap3A_160 : vector<1x16xf32> to vector<16xf32>
      %swap3A_162 = vector.shape_cast %mul3A_157 : vector<16xf32> to vector<1x16xf32>
      tpu.vector_store %arg10[%swap3A_158, %swap3A_159], %swap3A_162 {strides = array<i32>} : memref<128x256xf32, #tpu.memory_space<vmem>>, vector<1x16xf32>,
      %mul3A_163 = arith.constant 5.000000e-03 : f32
      %mul3A_164 = vector.broadcast %mul3A_163 : f32 to vector<16xf32>
      %mul3A_165 = arith.mulf %scan3A_96#8, %mul3A_164 : vector<16xf32>
      %swap3A_166 = arith.index_cast %mul3A_99 : i32 to index
      %swap3A_167 = arith.constant 128 : index
      %swap3A_168 = tpu.vector_load %arg10[%swap3A_166, %swap3A_167] {strides = array<i32>} : memref<128x256xf32, #tpu.memory_space<vmem>>, vector<1x16xf32>,
      %swap3A_169 = vector.shape_cast %swap3A_168 : vector<1x16xf32> to vector<16xf32>
      %swap3A_170 = vector.shape_cast %mul3A_165 : vector<16xf32> to vector<1x16xf32>
      tpu.vector_store %arg10[%swap3A_166, %swap3A_167], %swap3A_170 {strides = array<i32>} : memref<128x256xf32, #tpu.memory_space<vmem>>, vector<1x16xf32>,
      %mul3A_171 = arith.constant 5.000000e-03 : f32
      %mul3A_172 = vector.broadcast %mul3A_171 : f32 to vector<16xf32>
      %mul3A_173 = arith.mulf %scan3A_96#9, %mul3A_172 : vector<16xf32>
      %swap3A_174 = arith.index_cast %mul3A_99 : i32 to index
      %swap3A_175 = arith.constant 144 : index
      %swap3A_176 = tpu.vector_load %arg10[%swap3A_174, %swap3A_175] {strides = array<i32>} : memref<128x256xf32, #tpu.memory_space<vmem>>, vector<1x16xf32>,
      %swap3A_177 = vector.shape_cast %swap3A_176 : vector<1x16xf32> to vector<16xf32>
      %swap3A_178 = vector.shape_cast %mul3A_173 : vector<16xf32> to vector<1x16xf32>
      tpu.vector_store %arg10[%swap3A_174, %swap3A_175], %swap3A_178 {strides = array<i32>} : memref<128x256xf32, #tpu.memory_space<vmem>>, vector<1x16xf32>,
      %mul3A_179 = arith.constant 5.000000e-03 : f32
      %mul3A_180 = vector.broadcast %mul3A_179 : f32 to vector<16xf32>
      %mul3A_181 = arith.mulf %scan3A_96#10, %mul3A_180 : vector<16xf32>
      %swap3A_182 = arith.index_cast %mul3A_99 : i32 to index
      %swap3A_183 = arith.constant 160 : index
      %swap3A_184 = tpu.vector_load %arg10[%swap3A_182, %swap3A_183] {strides = array<i32>} : memref<128x256xf32, #tpu.memory_space<vmem>>, vector<1x16xf32>,
      %swap3A_185 = vector.shape_cast %swap3A_184 : vector<1x16xf32> to vector<16xf32>
      %swap3A_186 = vector.shape_cast %mul3A_181 : vector<16xf32> to vector<1x16xf32>
      tpu.vector_store %arg10[%swap3A_182, %swap3A_183], %swap3A_186 {strides = array<i32>} : memref<128x256xf32, #tpu.memory_space<vmem>>, vector<1x16xf32>,
      %mul3A_187 = arith.constant 5.000000e-03 : f32
      %mul3A_188 = vector.broadcast %mul3A_187 : f32 to vector<16xf32>
      %mul3A_189 = arith.mulf %scan3A_96#11, %mul3A_188 : vector<16xf32>
      %swap3A_190 = arith.index_cast %mul3A_99 : i32 to index
      %swap3A_191 = arith.constant 176 : index
      %swap3A_192 = tpu.vector_load %arg10[%swap3A_190, %swap3A_191] {strides = array<i32>} : memref<128x256xf32, #tpu.memory_space<vmem>>, vector<1x16xf32>,
      %swap3A_193 = vector.shape_cast %swap3A_192 : vector<1x16xf32> to vector<16xf32>
      %swap3A_194 = vector.shape_cast %mul3A_189 : vector<16xf32> to vector<1x16xf32>
      tpu.vector_store %arg10[%swap3A_190, %swap3A_191], %swap3A_194 {strides = array<i32>} : memref<128x256xf32, #tpu.memory_space<vmem>>, vector<1x16xf32>,
      %mul3A_195 = arith.constant 5.000000e-03 : f32
      %mul3A_196 = vector.broadcast %mul3A_195 : f32 to vector<16xf32>
      %mul3A_197 = arith.mulf %scan3A_96#12, %mul3A_196 : vector<16xf32>
      %swap3A_198 = arith.index_cast %mul3A_99 : i32 to index
      %swap3A_199 = arith.constant 192 : index
      %swap3A_200 = tpu.vector_load %arg10[%swap3A_198, %swap3A_199] {strides = array<i32>} : memref<128x256xf32, #tpu.memory_space<vmem>>, vector<1x16xf32>,
      %swap3A_201 = vector.shape_cast %swap3A_200 : vector<1x16xf32> to vector<16xf32>
      %swap3A_202 = vector.shape_cast %mul3A_197 : vector<16xf32> to vector<1x16xf32>
      tpu.vector_store %arg10[%swap3A_198, %swap3A_199], %swap3A_202 {strides = array<i32>} : memref<128x256xf32, #tpu.memory_space<vmem>>, vector<1x16xf32>,
      %mul3A_203 = arith.constant 5.000000e-03 : f32
      %mul3A_204 = vector.broadcast %mul3A_203 : f32 to vector<16xf32>
      %mul3A_205 = arith.mulf %scan3A_96#13, %mul3A_204 : vector<16xf32>
      %swap3A_206 = arith.index_cast %mul3A_99 : i32 to index
      %swap3A_207 = arith.constant 208 : index
      %swap3A_208 = tpu.vector_load %arg10[%swap3A_206, %swap3A_207] {strides = array<i32>} : memref<128x256xf32, #tpu.memory_space<vmem>>, vector<1x16xf32>,
      %swap3A_209 = vector.shape_cast %swap3A_208 : vector<1x16xf32> to vector<16xf32>
      %swap3A_210 = vector.shape_cast %mul3A_205 : vector<16xf32> to vector<1x16xf32>
      tpu.vector_store %arg10[%swap3A_206, %swap3A_207], %swap3A_210 {strides = array<i32>} : memref<128x256xf32, #tpu.memory_space<vmem>>, vector<1x16xf32>,
      %mul3A_211 = arith.constant 5.000000e-03 : f32
      %mul3A_212 = vector.broadcast %mul3A_211 : f32 to vector<16xf32>
      %mul3A_213 = arith.mulf %scan3A_96#14, %mul3A_212 : vector<16xf32>
      %swap3A_214 = arith.index_cast %mul3A_99 : i32 to index
      %swap3A_215 = arith.constant 224 : index
      %swap3A_216 = tpu.vector_load %arg10[%swap3A_214, %swap3A_215] {strides = array<i32>} : memref<128x256xf32, #tpu.memory_space<vmem>>, vector<1x16xf32>,
      %swap3A_217 = vector.shape_cast %swap3A_216 : vector<1x16xf32> to vector<16xf32>
      %swap3A_218 = vector.shape_cast %mul3A_213 : vector<16xf32> to vector<1x16xf32>
      tpu.vector_store %arg10[%swap3A_214, %swap3A_215], %swap3A_218 {strides = array<i32>} : memref<128x256xf32, #tpu.memory_space<vmem>>, vector<1x16xf32>,
      %mul3A_219 = arith.constant 5.000000e-03 : f32
      %mul3A_220 = vector.broadcast %mul3A_219 : f32 to vector<16xf32>
      %mul3A_221 = arith.mulf %scan3A_96#15, %mul3A_220 : vector<16xf32>
      %swap3A_222 = arith.index_cast %mul3A_99 : i32 to index
      %swap3A_223 = arith.constant 240 : index
      %swap3A_224 = tpu.vector_load %arg10[%swap3A_222, %swap3A_223] {strides = array<i32>} : memref<128x256xf32, #tpu.memory_space<vmem>>, vector<1x16xf32>,
      %swap3A_225 = vector.shape_cast %swap3A_224 : vector<1x16xf32> to vector<16xf32>
      %swap3A_226 = vector.shape_cast %mul3A_221 : vector<16xf32> to vector<1x16xf32>
      tpu.vector_store %arg10[%swap3A_222, %swap3A_223], %swap3A_226 {strides = array<i32>} : memref<128x256xf32, #tpu.memory_space<vmem>>, vector<1x16xf32>,
      %lt3A = arith.constant 63 : i32
      %lt3A_227 = arith.cmpi slt, %scan3A_69, %lt3A : i32
      %convert_element_type3A = arith.extui %lt3A_227 : i1 to i32
      %cond3A = arith.constant 0 : i32
      %cond3A_228 = arith.cmpi ne, %convert_element_type3A, %cond3A : i32
      scf.if %cond3A_228 {
        %add3A_395 = arith.constant 4 : i32
        %add3A_396 = arith.addi %mul3A_72, %add3A_395 : i32
        %dma_start3A_397 = arith.constant 0 : i32
        %dma_start3A_398 = tpu.memref_slice %arg5[%add3A_396, %dma_start3A_397] : memref<256x100xi32, #tpu.memory_space<vmem>> -> memref<1x100xi32, #tpu.memory_space<vmem>>
        %dma_start3A_399 = tpu.memref_squeeze %dma_start3A_398 : memref<1x100xi32, #tpu.memory_space<vmem>> -> memref<100xi32, #tpu.memory_space<vmem>>
        %dma_start3A_400 = arith.constant 0 : i32
        %dma_start3A_401 = arith.constant 0 : i32
        %dma_start3A_402 = tpu.memref_slice %arg2[%dma_start3A_400, %dma_start3A_401] : memref<100000x128xi32, #tpu.memory_space<hbm>> -> memref<100000x128xi32, #tpu.memory_space<hbm>>
        tpu.enqueue_indirect_dma source(%dma_start3A_402 : memref<100000x128xi32, #tpu.memory_space<hbm>>) target(%arg6 : memref<100x128xi32, #tpu.memory_space<vmem>>) offsets(%dma_start3A_399 : memref<100xi32, #tpu.memory_space<vmem>>) semaphore(%arg11 : memref<!tpu.dma_semaphore, #tpu.memory_space<semaphore_mem>>)
        %add3A_403 = arith.constant 5 : i32
        %add3A_404 = arith.addi %mul3A_72, %add3A_403 : i32
        %dma_start3A_405 = arith.constant 0 : i32
        %dma_start3A_406 = tpu.memref_slice %arg5[%add3A_404, %dma_start3A_405] : memref<256x100xi32, #tpu.memory_space<vmem>> -> memref<1x100xi32, #tpu.memory_space<vmem>>
        %dma_start3A_407 = tpu.memref_squeeze %dma_start3A_406 : memref<1x100xi32, #tpu.memory_space<vmem>> -> memref<100xi32, #tpu.memory_space<vmem>>
        %dma_start3A_408 = arith.constant 0 : i32
        %dma_start3A_409 = arith.constant 0 : i32
        %dma_start3A_410 = tpu.memref_slice %arg2[%dma_start3A_408, %dma_start3A_409] : memref<100000x128xi32, #tpu.memory_space<hbm>> -> memref<100000x128xi32, #tpu.memory_space<hbm>>
        tpu.enqueue_indirect_dma source(%dma_start3A_410 : memref<100000x128xi32, #tpu.memory_space<hbm>>) target(%arg7 : memref<100x128xi32, #tpu.memory_space<vmem>>) offsets(%dma_start3A_407 : memref<100xi32, #tpu.memory_space<vmem>>) semaphore(%arg12 : memref<!tpu.dma_semaphore, #tpu.memory_space<semaphore_mem>>)
      } else {
      }
      %add3A_229 = arith.constant 2 : i32
      %add3A_230 = arith.addi %mul3A_72, %add3A_229 : i32
      %dma_wait3A_231 = arith.constant 0 : i32
      %dma_wait3A_232 = tpu.memref_slice %arg5[%add3A_230, %dma_wait3A_231] : memref<256x100xi32, #tpu.memory_space<vmem>> -> memref<1x100xi32, #tpu.memory_space<vmem>>
      %dma_wait3A_233 = tpu.memref_squeeze %dma_wait3A_232 : memref<1x100xi32, #tpu.memory_space<vmem>> -> memref<100xi32, #tpu.memory_space<vmem>>
      %dma_wait3A_234 = arith.constant 0 : i32
      %dma_wait3A_235 = arith.constant 0 : i32
      %dma_wait3A_236 = tpu.memref_slice %arg2[%dma_wait3A_234, %dma_wait3A_235] : memref<100000x128xi32, #tpu.memory_space<hbm>> -> memref<100000x128xi32, #tpu.memory_space<hbm>>
      tpu.wait_indirect_dma semaphore(%arg13 : memref<!tpu.dma_semaphore, #tpu.memory_space<semaphore_mem>>) src(%dma_wait3A_236 : memref<100000x128xi32, #tpu.memory_space<hbm>>) dst(%arg8 : memref<100x128xi32, #tpu.memory_space<vmem>>)
      %scan3A_237 = arith.constant 0 : i32
      %scan3A_238 = arith.constant 100 : i32
      %scan3A_239 = arith.addi %scan3A_237, %scan3A_238 : i32
      %scan3A_240 = arith.constant 1 : i32
      %scan3A_241:16 = scf.for %scan3A_395 = %scan3A_237 to %scan3A_239 step %scan3A_240 iter_args(%scan3A_396 = %broadcast_in_dim3A_3, %scan3A_397 = %broadcast_in_dim3A_5, %scan3A_398 = %broadcast_in_dim3A_7, %scan3A_399 = %broadcast_in_dim3A_9, %scan3A_400 = %broadcast_in_dim3A_11, %scan3A_401 = %broadcast_in_dim3A_13, %scan3A_402 = %broadcast_in_dim3A_15, %scan3A_403 = %broadcast_in_dim3A_17, %scan3A_404 = %broadcast_in_dim3A_19, %scan3A_405 = %broadcast_in_dim3A_21, %scan3A_406 = %broadcast_in_dim3A_23, %scan3A_407 = %broadcast_in_dim3A_25, %scan3A_408 = %broadcast_in_dim3A_27, %scan3A_409 = %broadcast_in_dim3A_29, %scan3A_410 = %broadcast_in_dim3A_31, %scan3A_411 = %broadcast_in_dim3A_33) -> (vector<16xf32>, vector<16xf32>, vector<16xf32>, vector<16xf32>, vector<16xf32>, vector<16xf32>, vector<16xf32>, vector<16xf32>, vector<16xf32>, vector<16xf32>, vector<16xf32>, vector<16xf32>, vector<16xf32>, vector<16xf32>, vector<16xf32>, vector<16xf32>)  : i32 {
        %get3A = arith.index_cast %scan3A_395 : i32 to index
        %get3A_412 = arith.constant 0 : index
        %get3A_413 = tpu.vector_load %arg8[%get3A, %get3A_412] {strides = array<i32>} : memref<100x128xi32, #tpu.memory_space<vmem>>, vector<1x16xi32>,
        %get3A_414 = vector.shape_cast %get3A_413 : vector<1x16xi32> to vector<16xi32>
        %shift_left3A = arith.constant 16 : i32
        %shift_left3A_415 = vector.broadcast %shift_left3A : i32 to vector<16xi32>
        %shift_left3A_416 = arith.shli %get3A_414, %shift_left3A_415 : vector<16xi32>
        %bitcast_convert_type3A = tpu.bitcast %shift_left3A_416 : vector<16xi32> -> vector<16xf32>
        %add3A_417 = arith.addf %scan3A_396, %bitcast_convert_type3A : vector<16xf32>
        %bitcast_convert_type3A_418 = tpu.bitcast %get3A_414 : vector<16xi32> -> vector<16xf32>
        %add3A_419 = arith.addf %scan3A_404, %bitcast_convert_type3A_418 : vector<16xf32>
        %get3A_420 = arith.index_cast %scan3A_395 : i32 to index
        %get3A_421 = arith.constant 16 : index
        %get3A_422 = tpu.vector_load %arg8[%get3A_420, %get3A_421] {strides = array<i32>} : memref<100x128xi32, #tpu.memory_space<vmem>>, vector<1x16xi32>,
        %get3A_423 = vector.shape_cast %get3A_422 : vector<1x16xi32> to vector<16xi32>
        %shift_left3A_424 = arith.constant 16 : i32
        %shift_left3A_425 = vector.broadcast %shift_left3A_424 : i32 to vector<16xi32>
        %shift_left3A_426 = arith.shli %get3A_423, %shift_left3A_425 : vector<16xi32>
        %bitcast_convert_type3A_427 = tpu.bitcast %shift_left3A_426 : vector<16xi32> -> vector<16xf32>
        %add3A_428 = arith.addf %scan3A_397, %bitcast_convert_type3A_427 : vector<16xf32>
        %bitcast_convert_type3A_429 = tpu.bitcast %get3A_423 : vector<16xi32> -> vector<16xf32>
        %add3A_430 = arith.addf %scan3A_405, %bitcast_convert_type3A_429 : vector<16xf32>
        %get3A_431 = arith.index_cast %scan3A_395 : i32 to index
        %get3A_432 = arith.constant 32 : index
        %get3A_433 = tpu.vector_load %arg8[%get3A_431, %get3A_432] {strides = array<i32>} : memref<100x128xi32, #tpu.memory_space<vmem>>, vector<1x16xi32>,
        %get3A_434 = vector.shape_cast %get3A_433 : vector<1x16xi32> to vector<16xi32>
        %shift_left3A_435 = arith.constant 16 : i32
        %shift_left3A_436 = vector.broadcast %shift_left3A_435 : i32 to vector<16xi32>
        %shift_left3A_437 = arith.shli %get3A_434, %shift_left3A_436 : vector<16xi32>
        %bitcast_convert_type3A_438 = tpu.bitcast %shift_left3A_437 : vector<16xi32> -> vector<16xf32>
        %add3A_439 = arith.addf %scan3A_398, %bitcast_convert_type3A_438 : vector<16xf32>
        %bitcast_convert_type3A_440 = tpu.bitcast %get3A_434 : vector<16xi32> -> vector<16xf32>
        %add3A_441 = arith.addf %scan3A_406, %bitcast_convert_type3A_440 : vector<16xf32>
        %get3A_442 = arith.index_cast %scan3A_395 : i32 to index
        %get3A_443 = arith.constant 48 : index
        %get3A_444 = tpu.vector_load %arg8[%get3A_442, %get3A_443] {strides = array<i32>} : memref<100x128xi32, #tpu.memory_space<vmem>>, vector<1x16xi32>,
        %get3A_445 = vector.shape_cast %get3A_444 : vector<1x16xi32> to vector<16xi32>
        %shift_left3A_446 = arith.constant 16 : i32
        %shift_left3A_447 = vector.broadcast %shift_left3A_446 : i32 to vector<16xi32>
        %shift_left3A_448 = arith.shli %get3A_445, %shift_left3A_447 : vector<16xi32>
        %bitcast_convert_type3A_449 = tpu.bitcast %shift_left3A_448 : vector<16xi32> -> vector<16xf32>
        %add3A_450 = arith.addf %scan3A_399, %bitcast_convert_type3A_449 : vector<16xf32>
        %bitcast_convert_type3A_451 = tpu.bitcast %get3A_445 : vector<16xi32> -> vector<16xf32>
        %add3A_452 = arith.addf %scan3A_407, %bitcast_convert_type3A_451 : vector<16xf32>
        %get3A_453 = arith.index_cast %scan3A_395 : i32 to index
        %get3A_454 = arith.constant 64 : index
        %get3A_455 = tpu.vector_load %arg8[%get3A_453, %get3A_454] {strides = array<i32>} : memref<100x128xi32, #tpu.memory_space<vmem>>, vector<1x16xi32>,
        %get3A_456 = vector.shape_cast %get3A_455 : vector<1x16xi32> to vector<16xi32>
        %shift_left3A_457 = arith.constant 16 : i32
        %shift_left3A_458 = vector.broadcast %shift_left3A_457 : i32 to vector<16xi32>
        %shift_left3A_459 = arith.shli %get3A_456, %shift_left3A_458 : vector<16xi32>
        %bitcast_convert_type3A_460 = tpu.bitcast %shift_left3A_459 : vector<16xi32> -> vector<16xf32>
        %add3A_461 = arith.addf %scan3A_400, %bitcast_convert_type3A_460 : vector<16xf32>
        %bitcast_convert_type3A_462 = tpu.bitcast %get3A_456 : vector<16xi32> -> vector<16xf32>
        %add3A_463 = arith.addf %scan3A_408, %bitcast_convert_type3A_462 : vector<16xf32>
        %get3A_464 = arith.index_cast %scan3A_395 : i32 to index
        %get3A_465 = arith.constant 80 : index
        %get3A_466 = tpu.vector_load %arg8[%get3A_464, %get3A_465] {strides = array<i32>} : memref<100x128xi32, #tpu.memory_space<vmem>>, vector<1x16xi32>,
        %get3A_467 = vector.shape_cast %get3A_466 : vector<1x16xi32> to vector<16xi32>
        %shift_left3A_468 = arith.constant 16 : i32
        %shift_left3A_469 = vector.broadcast %shift_left3A_468 : i32 to vector<16xi32>
        %shift_left3A_470 = arith.shli %get3A_467, %shift_left3A_469 : vector<16xi32>
        %bitcast_convert_type3A_471 = tpu.bitcast %shift_left3A_470 : vector<16xi32> -> vector<16xf32>
        %add3A_472 = arith.addf %scan3A_401, %bitcast_convert_type3A_471 : vector<16xf32>
        %bitcast_convert_type3A_473 = tpu.bitcast %get3A_467 : vector<16xi32> -> vector<16xf32>
        %add3A_474 = arith.addf %scan3A_409, %bitcast_convert_type3A_473 : vector<16xf32>
        %get3A_475 = arith.index_cast %scan3A_395 : i32 to index
        %get3A_476 = arith.constant 96 : index
        %get3A_477 = tpu.vector_load %arg8[%get3A_475, %get3A_476] {strides = array<i32>} : memref<100x128xi32, #tpu.memory_space<vmem>>, vector<1x16xi32>,
        %get3A_478 = vector.shape_cast %get3A_477 : vector<1x16xi32> to vector<16xi32>
        %shift_left3A_479 = arith.constant 16 : i32
        %shift_left3A_480 = vector.broadcast %shift_left3A_479 : i32 to vector<16xi32>
        %shift_left3A_481 = arith.shli %get3A_478, %shift_left3A_480 : vector<16xi32>
        %bitcast_convert_type3A_482 = tpu.bitcast %shift_left3A_481 : vector<16xi32> -> vector<16xf32>
        %add3A_483 = arith.addf %scan3A_402, %bitcast_convert_type3A_482 : vector<16xf32>
        %bitcast_convert_type3A_484 = tpu.bitcast %get3A_478 : vector<16xi32> -> vector<16xf32>
        %add3A_485 = arith.addf %scan3A_410, %bitcast_convert_type3A_484 : vector<16xf32>
        %get3A_486 = arith.index_cast %scan3A_395 : i32 to index
        %get3A_487 = arith.constant 112 : index
        %get3A_488 = tpu.vector_load %arg8[%get3A_486, %get3A_487] {strides = array<i32>} : memref<100x128xi32, #tpu.memory_space<vmem>>, vector<1x16xi32>,
        %get3A_489 = vector.shape_cast %get3A_488 : vector<1x16xi32> to vector<16xi32>
        %shift_left3A_490 = arith.constant 16 : i32
        %shift_left3A_491 = vector.broadcast %shift_left3A_490 : i32 to vector<16xi32>
        %shift_left3A_492 = arith.shli %get3A_489, %shift_left3A_491 : vector<16xi32>
        %bitcast_convert_type3A_493 = tpu.bitcast %shift_left3A_492 : vector<16xi32> -> vector<16xf32>
        %add3A_494 = arith.addf %scan3A_403, %bitcast_convert_type3A_493 : vector<16xf32>
        %bitcast_convert_type3A_495 = tpu.bitcast %get3A_489 : vector<16xi32> -> vector<16xf32>
        %add3A_496 = arith.addf %scan3A_411, %bitcast_convert_type3A_495 : vector<16xf32>
        scf.yield %add3A_417, %add3A_428, %add3A_439, %add3A_450, %add3A_461, %add3A_472, %add3A_483, %add3A_494, %add3A_419, %add3A_430, %add3A_441, %add3A_452, %add3A_463, %add3A_474, %add3A_485, %add3A_496 : vector<16xf32>, vector<16xf32>, vector<16xf32>, vector<16xf32>, vector<16xf32>, vector<16xf32>, vector<16xf32>, vector<16xf32>, vector<16xf32>, vector<16xf32>, vector<16xf32>, vector<16xf32>, vector<16xf32>, vector<16xf32>, vector<16xf32>, vector<16xf32>
      }
      %scan3A_242 = arith.constant 100 : i32
      %add3A_243 = arith.constant 3 : i32
      %add3A_244 = arith.addi %mul3A_72, %add3A_243 : i32
      %dma_wait3A_245 = arith.constant 0 : i32
      %dma_wait3A_246 = tpu.memref_slice %arg5[%add3A_244, %dma_wait3A_245] : memref<256x100xi32, #tpu.memory_space<vmem>> -> memref<1x100xi32, #tpu.memory_space<vmem>>
      %dma_wait3A_247 = tpu.memref_squeeze %dma_wait3A_246 : memref<1x100xi32, #tpu.memory_space<vmem>> -> memref<100xi32, #tpu.memory_space<vmem>>
      %dma_wait3A_248 = arith.constant 0 : i32
      %dma_wait3A_249 = arith.constant 0 : i32
      %dma_wait3A_250 = tpu.memref_slice %arg2[%dma_wait3A_248, %dma_wait3A_249] : memref<100000x128xi32, #tpu.memory_space<hbm>> -> memref<100000x128xi32, #tpu.memory_space<hbm>>
      tpu.wait_indirect_dma semaphore(%arg14 : memref<!tpu.dma_semaphore, #tpu.memory_space<semaphore_mem>>) src(%dma_wait3A_250 : memref<100000x128xi32, #tpu.memory_space<hbm>>) dst(%arg9 : memref<100x128xi32, #tpu.memory_space<vmem>>)
      %scan3A_251 = arith.constant 0 : i32
      %scan3A_252 = arith.constant 100 : i32
      %scan3A_253 = arith.addi %scan3A_251, %scan3A_252 : i32
      %scan3A_254 = arith.constant 1 : i32
      %scan3A_255:16 = scf.for %scan3A_395 = %scan3A_251 to %scan3A_253 step %scan3A_254 iter_args(%scan3A_396 = %scan3A_241#0, %scan3A_397 = %scan3A_241#1, %scan3A_398 = %scan3A_241#2, %scan3A_399 = %scan3A_241#3, %scan3A_400 = %scan3A_241#4, %scan3A_401 = %scan3A_241#5, %scan3A_402 = %scan3A_241#6, %scan3A_403 = %scan3A_241#7, %scan3A_404 = %scan3A_241#8, %scan3A_405 = %scan3A_241#9, %scan3A_406 = %scan3A_241#10, %scan3A_407 = %scan3A_241#11, %scan3A_408 = %scan3A_241#12, %scan3A_409 = %scan3A_241#13, %scan3A_410 = %scan3A_241#14, %scan3A_411 = %scan3A_241#15) -> (vector<16xf32>, vector<16xf32>, vector<16xf32>, vector<16xf32>, vector<16xf32>, vector<16xf32>, vector<16xf32>, vector<16xf32>, vector<16xf32>, vector<16xf32>, vector<16xf32>, vector<16xf32>, vector<16xf32>, vector<16xf32>, vector<16xf32>, vector<16xf32>)  : i32 {
        %get3A = arith.index_cast %scan3A_395 : i32 to index
        %get3A_412 = arith.constant 0 : index
        %get3A_413 = tpu.vector_load %arg9[%get3A, %get3A_412] {strides = array<i32>} : memref<100x128xi32, #tpu.memory_space<vmem>>, vector<1x16xi32>,
        %get3A_414 = vector.shape_cast %get3A_413 : vector<1x16xi32> to vector<16xi32>
        %shift_left3A = arith.constant 16 : i32
        %shift_left3A_415 = vector.broadcast %shift_left3A : i32 to vector<16xi32>
        %shift_left3A_416 = arith.shli %get3A_414, %shift_left3A_415 : vector<16xi32>
        %bitcast_convert_type3A = tpu.bitcast %shift_left3A_416 : vector<16xi32> -> vector<16xf32>
        %add3A_417 = arith.addf %scan3A_396, %bitcast_convert_type3A : vector<16xf32>
        %bitcast_convert_type3A_418 = tpu.bitcast %get3A_414 : vector<16xi32> -> vector<16xf32>
        %add3A_419 = arith.addf %scan3A_404, %bitcast_convert_type3A_418 : vector<16xf32>
        %get3A_420 = arith.index_cast %scan3A_395 : i32 to index
        %get3A_421 = arith.constant 16 : index
        %get3A_422 = tpu.vector_load %arg9[%get3A_420, %get3A_421] {strides = array<i32>} : memref<100x128xi32, #tpu.memory_space<vmem>>, vector<1x16xi32>,
        %get3A_423 = vector.shape_cast %get3A_422 : vector<1x16xi32> to vector<16xi32>
        %shift_left3A_424 = arith.constant 16 : i32
        %shift_left3A_425 = vector.broadcast %shift_left3A_424 : i32 to vector<16xi32>
        %shift_left3A_426 = arith.shli %get3A_423, %shift_left3A_425 : vector<16xi32>
        %bitcast_convert_type3A_427 = tpu.bitcast %shift_left3A_426 : vector<16xi32> -> vector<16xf32>
        %add3A_428 = arith.addf %scan3A_397, %bitcast_convert_type3A_427 : vector<16xf32>
        %bitcast_convert_type3A_429 = tpu.bitcast %get3A_423 : vector<16xi32> -> vector<16xf32>
        %add3A_430 = arith.addf %scan3A_405, %bitcast_convert_type3A_429 : vector<16xf32>
        %get3A_431 = arith.index_cast %scan3A_395 : i32 to index
        %get3A_432 = arith.constant 32 : index
        %get3A_433 = tpu.vector_load %arg9[%get3A_431, %get3A_432] {strides = array<i32>} : memref<100x128xi32, #tpu.memory_space<vmem>>, vector<1x16xi32>,
        %get3A_434 = vector.shape_cast %get3A_433 : vector<1x16xi32> to vector<16xi32>
        %shift_left3A_435 = arith.constant 16 : i32
        %shift_left3A_436 = vector.broadcast %shift_left3A_435 : i32 to vector<16xi32>
        %shift_left3A_437 = arith.shli %get3A_434, %shift_left3A_436 : vector<16xi32>
        %bitcast_convert_type3A_438 = tpu.bitcast %shift_left3A_437 : vector<16xi32> -> vector<16xf32>
        %add3A_439 = arith.addf %scan3A_398, %bitcast_convert_type3A_438 : vector<16xf32>
        %bitcast_convert_type3A_440 = tpu.bitcast %get3A_434 : vector<16xi32> -> vector<16xf32>
        %add3A_441 = arith.addf %scan3A_406, %bitcast_convert_type3A_440 : vector<16xf32>
        %get3A_442 = arith.index_cast %scan3A_395 : i32 to index
        %get3A_443 = arith.constant 48 : index
        %get3A_444 = tpu.vector_load %arg9[%get3A_442, %get3A_443] {strides = array<i32>} : memref<100x128xi32, #tpu.memory_space<vmem>>, vector<1x16xi32>,
        %get3A_445 = vector.shape_cast %get3A_444 : vector<1x16xi32> to vector<16xi32>
        %shift_left3A_446 = arith.constant 16 : i32
        %shift_left3A_447 = vector.broadcast %shift_left3A_446 : i32 to vector<16xi32>
        %shift_left3A_448 = arith.shli %get3A_445, %shift_left3A_447 : vector<16xi32>
        %bitcast_convert_type3A_449 = tpu.bitcast %shift_left3A_448 : vector<16xi32> -> vector<16xf32>
        %add3A_450 = arith.addf %scan3A_399, %bitcast_convert_type3A_449 : vector<16xf32>
        %bitcast_convert_type3A_451 = tpu.bitcast %get3A_445 : vector<16xi32> -> vector<16xf32>
        %add3A_452 = arith.addf %scan3A_407, %bitcast_convert_type3A_451 : vector<16xf32>
        %get3A_453 = arith.index_cast %scan3A_395 : i32 to index
        %get3A_454 = arith.constant 64 : index
        %get3A_455 = tpu.vector_load %arg9[%get3A_453, %get3A_454] {strides = array<i32>} : memref<100x128xi32, #tpu.memory_space<vmem>>, vector<1x16xi32>,
        %get3A_456 = vector.shape_cast %get3A_455 : vector<1x16xi32> to vector<16xi32>
        %shift_left3A_457 = arith.constant 16 : i32
        %shift_left3A_458 = vector.broadcast %shift_left3A_457 : i32 to vector<16xi32>
        %shift_left3A_459 = arith.shli %get3A_456, %shift_left3A_458 : vector<16xi32>
        %bitcast_convert_type3A_460 = tpu.bitcast %shift_left3A_459 : vector<16xi32> -> vector<16xf32>
        %add3A_461 = arith.addf %scan3A_400, %bitcast_convert_type3A_460 : vector<16xf32>
        %bitcast_convert_type3A_462 = tpu.bitcast %get3A_456 : vector<16xi32> -> vector<16xf32>
        %add3A_463 = arith.addf %scan3A_408, %bitcast_convert_type3A_462 : vector<16xf32>
        %get3A_464 = arith.index_cast %scan3A_395 : i32 to index
        %get3A_465 = arith.constant 80 : index
        %get3A_466 = tpu.vector_load %arg9[%get3A_464, %get3A_465] {strides = array<i32>} : memref<100x128xi32, #tpu.memory_space<vmem>>, vector<1x16xi32>,
        %get3A_467 = vector.shape_cast %get3A_466 : vector<1x16xi32> to vector<16xi32>
        %shift_left3A_468 = arith.constant 16 : i32
        %shift_left3A_469 = vector.broadcast %shift_left3A_468 : i32 to vector<16xi32>
        %shift_left3A_470 = arith.shli %get3A_467, %shift_left3A_469 : vector<16xi32>
        %bitcast_convert_type3A_471 = tpu.bitcast %shift_left3A_470 : vector<16xi32> -> vector<16xf32>
        %add3A_472 = arith.addf %scan3A_401, %bitcast_convert_type3A_471 : vector<16xf32>
        %bitcast_convert_type3A_473 = tpu.bitcast %get3A_467 : vector<16xi32> -> vector<16xf32>
        %add3A_474 = arith.addf %scan3A_409, %bitcast_convert_type3A_473 : vector<16xf32>
        %get3A_475 = arith.index_cast %scan3A_395 : i32 to index
        %get3A_476 = arith.constant 96 : index
        %get3A_477 = tpu.vector_load %arg9[%get3A_475, %get3A_476] {strides = array<i32>} : memref<100x128xi32, #tpu.memory_space<vmem>>, vector<1x16xi32>,
        %get3A_478 = vector.shape_cast %get3A_477 : vector<1x16xi32> to vector<16xi32>
        %shift_left3A_479 = arith.constant 16 : i32
        %shift_left3A_480 = vector.broadcast %shift_left3A_479 : i32 to vector<16xi32>
        %shift_left3A_481 = arith.shli %get3A_478, %shift_left3A_480 : vector<16xi32>
        %bitcast_convert_type3A_482 = tpu.bitcast %shift_left3A_481 : vector<16xi32> -> vector<16xf32>
        %add3A_483 = arith.addf %scan3A_402, %bitcast_convert_type3A_482 : vector<16xf32>
        %bitcast_convert_type3A_484 = tpu.bitcast %get3A_478 : vector<16xi32> -> vector<16xf32>
        %add3A_485 = arith.addf %scan3A_410, %bitcast_convert_type3A_484 : vector<16xf32>
        %get3A_486 = arith.index_cast %scan3A_395 : i32 to index
        %get3A_487 = arith.constant 112 : index
        %get3A_488 = tpu.vector_load %arg9[%get3A_486, %get3A_487] {strides = array<i32>} : memref<100x128xi32, #tpu.memory_space<vmem>>, vector<1x16xi32>,
        %get3A_489 = vector.shape_cast %get3A_488 : vector<1x16xi32> to vector<16xi32>
        %shift_left3A_490 = arith.constant 16 : i32
        %shift_left3A_491 = vector.broadcast %shift_left3A_490 : i32 to vector<16xi32>
        %shift_left3A_492 = arith.shli %get3A_489, %shift_left3A_491 : vector<16xi32>
        %bitcast_convert_type3A_493 = tpu.bitcast %shift_left3A_492 : vector<16xi32> -> vector<16xf32>
        %add3A_494 = arith.addf %scan3A_403, %bitcast_convert_type3A_493 : vector<16xf32>
        %bitcast_convert_type3A_495 = tpu.bitcast %get3A_489 : vector<16xi32> -> vector<16xf32>
        %add3A_496 = arith.addf %scan3A_411, %bitcast_convert_type3A_495 : vector<16xf32>
        scf.yield %add3A_417, %add3A_428, %add3A_439, %add3A_450, %add3A_461, %add3A_472, %add3A_483, %add3A_494, %add3A_419, %add3A_430, %add3A_441, %add3A_452, %add3A_463, %add3A_474, %add3A_485, %add3A_496 : vector<16xf32>, vector<16xf32>, vector<16xf32>, vector<16xf32>, vector<16xf32>, vector<16xf32>, vector<16xf32>, vector<16xf32>, vector<16xf32>, vector<16xf32>, vector<16xf32>, vector<16xf32>, vector<16xf32>, vector<16xf32>, vector<16xf32>, vector<16xf32>
      }
      %scan3A_256 = arith.constant 100 : i32
      %mul3A_257 = arith.constant 2 : i32
      %mul3A_258 = arith.muli %mul3A_257, %scan3A_69 : i32
      %add3A_259 = arith.constant 1 : i32
      %add3A_260 = arith.addi %mul3A_258, %add3A_259 : i32
      %mul3A_261 = arith.constant 5.000000e-03 : f32
      %mul3A_262 = vector.broadcast %mul3A_261 : f32 to vector<16xf32>
      %mul3A_263 = arith.mulf %scan3A_255#0, %mul3A_262 : vector<16xf32>
      %swap3A_264 = arith.index_cast %add3A_260 : i32 to index
      %swap3A_265 = arith.constant 0 : index
      %swap3A_266 = tpu.vector_load %arg10[%swap3A_264, %swap3A_265] {strides = array<i32>} : memref<128x256xf32, #tpu.memory_space<vmem>>, vector<1x16xf32>,
      %swap3A_267 = vector.shape_cast %swap3A_266 : vector<1x16xf32> to vector<16xf32>
      %swap3A_268 = vector.shape_cast %mul3A_263 : vector<16xf32> to vector<1x16xf32>
      tpu.vector_store %arg10[%swap3A_264, %swap3A_265], %swap3A_268 {strides = array<i32>} : memref<128x256xf32, #tpu.memory_space<vmem>>, vector<1x16xf32>,
      %mul3A_269 = arith.constant 5.000000e-03 : f32
      %mul3A_270 = vector.broadcast %mul3A_269 : f32 to vector<16xf32>
      %mul3A_271 = arith.mulf %scan3A_255#1, %mul3A_270 : vector<16xf32>
      %swap3A_272 = arith.index_cast %add3A_260 : i32 to index
      %swap3A_273 = arith.constant 16 : index
      %swap3A_274 = tpu.vector_load %arg10[%swap3A_272, %swap3A_273] {strides = array<i32>} : memref<128x256xf32, #tpu.memory_space<vmem>>, vector<1x16xf32>,
      %swap3A_275 = vector.shape_cast %swap3A_274 : vector<1x16xf32> to vector<16xf32>
      %swap3A_276 = vector.shape_cast %mul3A_271 : vector<16xf32> to vector<1x16xf32>
      tpu.vector_store %arg10[%swap3A_272, %swap3A_273], %swap3A_276 {strides = array<i32>} : memref<128x256xf32, #tpu.memory_space<vmem>>, vector<1x16xf32>,
      %mul3A_277 = arith.constant 5.000000e-03 : f32
      %mul3A_278 = vector.broadcast %mul3A_277 : f32 to vector<16xf32>
      %mul3A_279 = arith.mulf %scan3A_255#2, %mul3A_278 : vector<16xf32>
      %swap3A_280 = arith.index_cast %add3A_260 : i32 to index
      %swap3A_281 = arith.constant 32 : index
      %swap3A_282 = tpu.vector_load %arg10[%swap3A_280, %swap3A_281] {strides = array<i32>} : memref<128x256xf32, #tpu.memory_space<vmem>>, vector<1x16xf32>,
      %swap3A_283 = vector.shape_cast %swap3A_282 : vector<1x16xf32> to vector<16xf32>
      %swap3A_284 = vector.shape_cast %mul3A_279 : vector<16xf32> to vector<1x16xf32>
      tpu.vector_store %arg10[%swap3A_280, %swap3A_281], %swap3A_284 {strides = array<i32>} : memref<128x256xf32, #tpu.memory_space<vmem>>, vector<1x16xf32>,
      %mul3A_285 = arith.constant 5.000000e-03 : f32
      %mul3A_286 = vector.broadcast %mul3A_285 : f32 to vector<16xf32>
      %mul3A_287 = arith.mulf %scan3A_255#3, %mul3A_286 : vector<16xf32>
      %swap3A_288 = arith.index_cast %add3A_260 : i32 to index
      %swap3A_289 = arith.constant 48 : index
      %swap3A_290 = tpu.vector_load %arg10[%swap3A_288, %swap3A_289] {strides = array<i32>} : memref<128x256xf32, #tpu.memory_space<vmem>>, vector<1x16xf32>,
      %swap3A_291 = vector.shape_cast %swap3A_290 : vector<1x16xf32> to vector<16xf32>
      %swap3A_292 = vector.shape_cast %mul3A_287 : vector<16xf32> to vector<1x16xf32>
      tpu.vector_store %arg10[%swap3A_288, %swap3A_289], %swap3A_292 {strides = array<i32>} : memref<128x256xf32, #tpu.memory_space<vmem>>, vector<1x16xf32>,
      %mul3A_293 = arith.constant 5.000000e-03 : f32
      %mul3A_294 = vector.broadcast %mul3A_293 : f32 to vector<16xf32>
      %mul3A_295 = arith.mulf %scan3A_255#4, %mul3A_294 : vector<16xf32>
      %swap3A_296 = arith.index_cast %add3A_260 : i32 to index
      %swap3A_297 = arith.constant 64 : index
      %swap3A_298 = tpu.vector_load %arg10[%swap3A_296, %swap3A_297] {strides = array<i32>} : memref<128x256xf32, #tpu.memory_space<vmem>>, vector<1x16xf32>,
      %swap3A_299 = vector.shape_cast %swap3A_298 : vector<1x16xf32> to vector<16xf32>
      %swap3A_300 = vector.shape_cast %mul3A_295 : vector<16xf32> to vector<1x16xf32>
      tpu.vector_store %arg10[%swap3A_296, %swap3A_297], %swap3A_300 {strides = array<i32>} : memref<128x256xf32, #tpu.memory_space<vmem>>, vector<1x16xf32>,
      %mul3A_301 = arith.constant 5.000000e-03 : f32
      %mul3A_302 = vector.broadcast %mul3A_301 : f32 to vector<16xf32>
      %mul3A_303 = arith.mulf %scan3A_255#5, %mul3A_302 : vector<16xf32>
      %swap3A_304 = arith.index_cast %add3A_260 : i32 to index
      %swap3A_305 = arith.constant 80 : index
      %swap3A_306 = tpu.vector_load %arg10[%swap3A_304, %swap3A_305] {strides = array<i32>} : memref<128x256xf32, #tpu.memory_space<vmem>>, vector<1x16xf32>,
      %swap3A_307 = vector.shape_cast %swap3A_306 : vector<1x16xf32> to vector<16xf32>
      %swap3A_308 = vector.shape_cast %mul3A_303 : vector<16xf32> to vector<1x16xf32>
      tpu.vector_store %arg10[%swap3A_304, %swap3A_305], %swap3A_308 {strides = array<i32>} : memref<128x256xf32, #tpu.memory_space<vmem>>, vector<1x16xf32>,
      %mul3A_309 = arith.constant 5.000000e-03 : f32
      %mul3A_310 = vector.broadcast %mul3A_309 : f32 to vector<16xf32>
      %mul3A_311 = arith.mulf %scan3A_255#6, %mul3A_310 : vector<16xf32>
      %swap3A_312 = arith.index_cast %add3A_260 : i32 to index
      %swap3A_313 = arith.constant 96 : index
      %swap3A_314 = tpu.vector_load %arg10[%swap3A_312, %swap3A_313] {strides = array<i32>} : memref<128x256xf32, #tpu.memory_space<vmem>>, vector<1x16xf32>,
      %swap3A_315 = vector.shape_cast %swap3A_314 : vector<1x16xf32> to vector<16xf32>
      %swap3A_316 = vector.shape_cast %mul3A_311 : vector<16xf32> to vector<1x16xf32>
      tpu.vector_store %arg10[%swap3A_312, %swap3A_313], %swap3A_316 {strides = array<i32>} : memref<128x256xf32, #tpu.memory_space<vmem>>, vector<1x16xf32>,
      %mul3A_317 = arith.constant 5.000000e-03 : f32
      %mul3A_318 = vector.broadcast %mul3A_317 : f32 to vector<16xf32>
      %mul3A_319 = arith.mulf %scan3A_255#7, %mul3A_318 : vector<16xf32>
      %swap3A_320 = arith.index_cast %add3A_260 : i32 to index
      %swap3A_321 = arith.constant 112 : index
      %swap3A_322 = tpu.vector_load %arg10[%swap3A_320, %swap3A_321] {strides = array<i32>} : memref<128x256xf32, #tpu.memory_space<vmem>>, vector<1x16xf32>,
      %swap3A_323 = vector.shape_cast %swap3A_322 : vector<1x16xf32> to vector<16xf32>
      %swap3A_324 = vector.shape_cast %mul3A_319 : vector<16xf32> to vector<1x16xf32>
      tpu.vector_store %arg10[%swap3A_320, %swap3A_321], %swap3A_324 {strides = array<i32>} : memref<128x256xf32, #tpu.memory_space<vmem>>, vector<1x16xf32>,
      %mul3A_325 = arith.constant 5.000000e-03 : f32
      %mul3A_326 = vector.broadcast %mul3A_325 : f32 to vector<16xf32>
      %mul3A_327 = arith.mulf %scan3A_255#8, %mul3A_326 : vector<16xf32>
      %swap3A_328 = arith.index_cast %add3A_260 : i32 to index
      %swap3A_329 = arith.constant 128 : index
      %swap3A_330 = tpu.vector_load %arg10[%swap3A_328, %swap3A_329] {strides = array<i32>} : memref<128x256xf32, #tpu.memory_space<vmem>>, vector<1x16xf32>,
      %swap3A_331 = vector.shape_cast %swap3A_330 : vector<1x16xf32> to vector<16xf32>
      %swap3A_332 = vector.shape_cast %mul3A_327 : vector<16xf32> to vector<1x16xf32>
      tpu.vector_store %arg10[%swap3A_328, %swap3A_329], %swap3A_332 {strides = array<i32>} : memref<128x256xf32, #tpu.memory_space<vmem>>, vector<1x16xf32>,
      %mul3A_333 = arith.constant 5.000000e-03 : f32
      %mul3A_334 = vector.broadcast %mul3A_333 : f32 to vector<16xf32>
      %mul3A_335 = arith.mulf %scan3A_255#9, %mul3A_334 : vector<16xf32>
      %swap3A_336 = arith.index_cast %add3A_260 : i32 to index
      %swap3A_337 = arith.constant 144 : index
      %swap3A_338 = tpu.vector_load %arg10[%swap3A_336, %swap3A_337] {strides = array<i32>} : memref<128x256xf32, #tpu.memory_space<vmem>>, vector<1x16xf32>,
      %swap3A_339 = vector.shape_cast %swap3A_338 : vector<1x16xf32> to vector<16xf32>
      %swap3A_340 = vector.shape_cast %mul3A_335 : vector<16xf32> to vector<1x16xf32>
      tpu.vector_store %arg10[%swap3A_336, %swap3A_337], %swap3A_340 {strides = array<i32>} : memref<128x256xf32, #tpu.memory_space<vmem>>, vector<1x16xf32>,
      %mul3A_341 = arith.constant 5.000000e-03 : f32
      %mul3A_342 = vector.broadcast %mul3A_341 : f32 to vector<16xf32>
      %mul3A_343 = arith.mulf %scan3A_255#10, %mul3A_342 : vector<16xf32>
      %swap3A_344 = arith.index_cast %add3A_260 : i32 to index
      %swap3A_345 = arith.constant 160 : index
      %swap3A_346 = tpu.vector_load %arg10[%swap3A_344, %swap3A_345] {strides = array<i32>} : memref<128x256xf32, #tpu.memory_space<vmem>>, vector<1x16xf32>,
      %swap3A_347 = vector.shape_cast %swap3A_346 : vector<1x16xf32> to vector<16xf32>
      %swap3A_348 = vector.shape_cast %mul3A_343 : vector<16xf32> to vector<1x16xf32>
      tpu.vector_store %arg10[%swap3A_344, %swap3A_345], %swap3A_348 {strides = array<i32>} : memref<128x256xf32, #tpu.memory_space<vmem>>, vector<1x16xf32>,
      %mul3A_349 = arith.constant 5.000000e-03 : f32
      %mul3A_350 = vector.broadcast %mul3A_349 : f32 to vector<16xf32>
      %mul3A_351 = arith.mulf %scan3A_255#11, %mul3A_350 : vector<16xf32>
      %swap3A_352 = arith.index_cast %add3A_260 : i32 to index
      %swap3A_353 = arith.constant 176 : index
      %swap3A_354 = tpu.vector_load %arg10[%swap3A_352, %swap3A_353] {strides = array<i32>} : memref<128x256xf32, #tpu.memory_space<vmem>>, vector<1x16xf32>,
      %swap3A_355 = vector.shape_cast %swap3A_354 : vector<1x16xf32> to vector<16xf32>
      %swap3A_356 = vector.shape_cast %mul3A_351 : vector<16xf32> to vector<1x16xf32>
      tpu.vector_store %arg10[%swap3A_352, %swap3A_353], %swap3A_356 {strides = array<i32>} : memref<128x256xf32, #tpu.memory_space<vmem>>, vector<1x16xf32>,
      %mul3A_357 = arith.constant 5.000000e-03 : f32
      %mul3A_358 = vector.broadcast %mul3A_357 : f32 to vector<16xf32>
      %mul3A_359 = arith.mulf %scan3A_255#12, %mul3A_358 : vector<16xf32>
      %swap3A_360 = arith.index_cast %add3A_260 : i32 to index
      %swap3A_361 = arith.constant 192 : index
      %swap3A_362 = tpu.vector_load %arg10[%swap3A_360, %swap3A_361] {strides = array<i32>} : memref<128x256xf32, #tpu.memory_space<vmem>>, vector<1x16xf32>,
      %swap3A_363 = vector.shape_cast %swap3A_362 : vector<1x16xf32> to vector<16xf32>
      %swap3A_364 = vector.shape_cast %mul3A_359 : vector<16xf32> to vector<1x16xf32>
      tpu.vector_store %arg10[%swap3A_360, %swap3A_361], %swap3A_364 {strides = array<i32>} : memref<128x256xf32, #tpu.memory_space<vmem>>, vector<1x16xf32>,
      %mul3A_365 = arith.constant 5.000000e-03 : f32
      %mul3A_366 = vector.broadcast %mul3A_365 : f32 to vector<16xf32>
      %mul3A_367 = arith.mulf %scan3A_255#13, %mul3A_366 : vector<16xf32>
      %swap3A_368 = arith.index_cast %add3A_260 : i32 to index
      %swap3A_369 = arith.constant 208 : index
      %swap3A_370 = tpu.vector_load %arg10[%swap3A_368, %swap3A_369] {strides = array<i32>} : memref<128x256xf32, #tpu.memory_space<vmem>>, vector<1x16xf32>,
      %swap3A_371 = vector.shape_cast %swap3A_370 : vector<1x16xf32> to vector<16xf32>
      %swap3A_372 = vector.shape_cast %mul3A_367 : vector<16xf32> to vector<1x16xf32>
      tpu.vector_store %arg10[%swap3A_368, %swap3A_369], %swap3A_372 {strides = array<i32>} : memref<128x256xf32, #tpu.memory_space<vmem>>, vector<1x16xf32>,
      %mul3A_373 = arith.constant 5.000000e-03 : f32
      %mul3A_374 = vector.broadcast %mul3A_373 : f32 to vector<16xf32>
      %mul3A_375 = arith.mulf %scan3A_255#14, %mul3A_374 : vector<16xf32>
      %swap3A_376 = arith.index_cast %add3A_260 : i32 to index
      %swap3A_377 = arith.constant 224 : index
      %swap3A_378 = tpu.vector_load %arg10[%swap3A_376, %swap3A_377] {strides = array<i32>} : memref<128x256xf32, #tpu.memory_space<vmem>>, vector<1x16xf32>,
      %swap3A_379 = vector.shape_cast %swap3A_378 : vector<1x16xf32> to vector<16xf32>
      %swap3A_380 = vector.shape_cast %mul3A_375 : vector<16xf32> to vector<1x16xf32>
      tpu.vector_store %arg10[%swap3A_376, %swap3A_377], %swap3A_380 {strides = array<i32>} : memref<128x256xf32, #tpu.memory_space<vmem>>, vector<1x16xf32>,
      %mul3A_381 = arith.constant 5.000000e-03 : f32
      %mul3A_382 = vector.broadcast %mul3A_381 : f32 to vector<16xf32>
      %mul3A_383 = arith.mulf %scan3A_255#15, %mul3A_382 : vector<16xf32>
      %swap3A_384 = arith.index_cast %add3A_260 : i32 to index
      %swap3A_385 = arith.constant 240 : index
      %swap3A_386 = tpu.vector_load %arg10[%swap3A_384, %swap3A_385] {strides = array<i32>} : memref<128x256xf32, #tpu.memory_space<vmem>>, vector<1x16xf32>,
      %swap3A_387 = vector.shape_cast %swap3A_386 : vector<1x16xf32> to vector<16xf32>
      %swap3A_388 = vector.shape_cast %mul3A_383 : vector<16xf32> to vector<1x16xf32>
      tpu.vector_store %arg10[%swap3A_384, %swap3A_385], %swap3A_388 {strides = array<i32>} : memref<128x256xf32, #tpu.memory_space<vmem>>, vector<1x16xf32>,
      %lt3A_389 = arith.constant 63 : i32
      %lt3A_390 = arith.cmpi slt, %scan3A_69, %lt3A_389 : i32
      %convert_element_type3A_391 = arith.extui %lt3A_390 : i1 to i32
      %cond3A_392 = arith.constant 0 : i32
      %cond3A_393 = arith.cmpi ne, %convert_element_type3A_391, %cond3A_392 : i32
      scf.if %cond3A_393 {
        %add3A_395 = arith.constant 6 : i32
        %add3A_396 = arith.addi %mul3A_72, %add3A_395 : i32
        %dma_start3A_397 = arith.constant 0 : i32
        %dma_start3A_398 = tpu.memref_slice %arg5[%add3A_396, %dma_start3A_397] : memref<256x100xi32, #tpu.memory_space<vmem>> -> memref<1x100xi32, #tpu.memory_space<vmem>>
        %dma_start3A_399 = tpu.memref_squeeze %dma_start3A_398 : memref<1x100xi32, #tpu.memory_space<vmem>> -> memref<100xi32, #tpu.memory_space<vmem>>
        %dma_start3A_400 = arith.constant 0 : i32
        %dma_start3A_401 = arith.constant 0 : i32
        %dma_start3A_402 = tpu.memref_slice %arg2[%dma_start3A_400, %dma_start3A_401] : memref<100000x128xi32, #tpu.memory_space<hbm>> -> memref<100000x128xi32, #tpu.memory_space<hbm>>
        tpu.enqueue_indirect_dma source(%dma_start3A_402 : memref<100000x128xi32, #tpu.memory_space<hbm>>) target(%arg8 : memref<100x128xi32, #tpu.memory_space<vmem>>) offsets(%dma_start3A_399 : memref<100xi32, #tpu.memory_space<vmem>>) semaphore(%arg13 : memref<!tpu.dma_semaphore, #tpu.memory_space<semaphore_mem>>)
        %add3A_403 = arith.constant 7 : i32
        %add3A_404 = arith.addi %mul3A_72, %add3A_403 : i32
        %dma_start3A_405 = arith.constant 0 : i32
        %dma_start3A_406 = tpu.memref_slice %arg5[%add3A_404, %dma_start3A_405] : memref<256x100xi32, #tpu.memory_space<vmem>> -> memref<1x100xi32, #tpu.memory_space<vmem>>
        %dma_start3A_407 = tpu.memref_squeeze %dma_start3A_406 : memref<1x100xi32, #tpu.memory_space<vmem>> -> memref<100xi32, #tpu.memory_space<vmem>>
        %dma_start3A_408 = arith.constant 0 : i32
        %dma_start3A_409 = arith.constant 0 : i32
        %dma_start3A_410 = tpu.memref_slice %arg2[%dma_start3A_408, %dma_start3A_409] : memref<100000x128xi32, #tpu.memory_space<hbm>> -> memref<100000x128xi32, #tpu.memory_space<hbm>>
        tpu.enqueue_indirect_dma source(%dma_start3A_410 : memref<100000x128xi32, #tpu.memory_space<hbm>>) target(%arg9 : memref<100x128xi32, #tpu.memory_space<vmem>>) offsets(%dma_start3A_407 : memref<100xi32, #tpu.memory_space<vmem>>) semaphore(%arg14 : memref<!tpu.dma_semaphore, #tpu.memory_space<semaphore_mem>>)
      } else {
      }
      %scan3A_394 = arith.constant 0 : i32
      scf.yield %scan3A_394 : i32
    }
    %scan3A_66 = arith.constant 64 : i32
    %mul3A_67 = arith.constant 128 : i32
    %mul3A_68 = arith.muli %add3A, %mul3A_67 : i32
    "tpu.region"() ({
      %run_scoped3A = tpu.sem_alloc : memref<!tpu.dma_semaphore, #tpu.memory_space<semaphore_mem>>
      %dma_start3A_69 = arith.constant 0 : i32
      %dma_start3A_70 = tpu.memref_slice %arg4[%mul3A_68, %dma_start3A_69] : memref<4096x256xf32, #tpu.memory_space<hbm>> -> memref<128x256xf32, #tpu.memory_space<hbm>>
      %dma_start3A_71 = arith.constant 0 : i32
      %dma_start3A_72 = tpu.memref_slice %arg4[%mul3A_68, %dma_start3A_71] : memref<4096x256xf32, #tpu.memory_space<hbm>> -> memref<128x256xf32, #tpu.memory_space<hbm>>
      tpu.enqueue_dma source(%arg10 : memref<128x256xf32, #tpu.memory_space<vmem>>) target(%dma_start3A_72 : memref<128x256xf32, #tpu.memory_space<hbm>>) target_semaphore(%run_scoped3A : memref<!tpu.dma_semaphore, #tpu.memory_space<semaphore_mem>>)
      %dma_wait3A = arith.constant 0 : i32
      %dma_wait3A_73 = tpu.memref_slice %arg4[%mul3A_68, %dma_wait3A] : memref<4096x256xf32, #tpu.memory_space<hbm>> -> memref<128x256xf32, #tpu.memory_space<hbm>>
      %dma_wait3A_74 = arith.constant 0 : i32
      %dma_wait3A_75 = tpu.memref_slice %arg4[%mul3A_68, %dma_wait3A_74] : memref<4096x256xf32, #tpu.memory_space<hbm>> -> memref<128x256xf32, #tpu.memory_space<hbm>>
      tpu.wait_dma2 semaphore(%run_scoped3A : memref<!tpu.dma_semaphore, #tpu.memory_space<semaphore_mem>>) src(%arg10 : memref<128x256xf32, #tpu.memory_space<vmem>>) dst(%dma_wait3A_75 : memref<128x256xf32, #tpu.memory_space<hbm>>)
      tpu.yield
    }) : () -> ()
    return
  }
}

module attributes {stable_mosaic.version = 14 : i64} {
  func.func @_mm_body(%arg0: i32, %arg1: memref<2000x768xf32, #tpu.memory_space<vmem>>, %arg2: memref<768x128xf32, #tpu.memory_space<vmem>>, %arg3: memref<768x128xf32, #tpu.memory_space<vmem>>, %arg4: memref<1x256xf32, #tpu.memory_space<vmem>>, %arg5: memref<2000x128xi32, #tpu.memory_space<vmem>>) attributes {dimension_semantics = [#tpu.dimension_semantics<arbitrary>], iteration_bounds = array<i64: 50>, scalar_prefetch = 0 : i64, scratch_operands = 0 : i64, tpu.core_type = #tpu.core_type<tc>, window_params = [{transform_indices = @transform_0, window_bounds = array<i64: 2000, 768>}, {pipeline_mode = #tpu.pipeline_mode<synchronous>, transform_indices = @transform_1, window_bounds = array<i64: 768, 128>}, {pipeline_mode = #tpu.pipeline_mode<synchronous>, transform_indices = @transform_2, window_bounds = array<i64: 768, 128>}, {pipeline_mode = #tpu.pipeline_mode<synchronous>, transform_indices = @transform_3, window_bounds = array<i64: 1, 256>}, {transform_indices = @transform_4, window_bounds = array<i64: 2000, 128>}]} {
    %get3A = arith.constant 0 : index
    %get3A_0 = arith.constant 0 : index
    %get3A_1 = vector.load %arg1[%get3A, %get3A_0] : memref<2000x768xf32, #tpu.memory_space<vmem>>, vector<2000x768xf32>
    %get3A_2 = arith.constant 0 : index
    %get3A_3 = arith.constant 0 : index
    %get3A_4 = vector.load %arg2[%get3A_2, %get3A_3] : memref<768x128xf32, #tpu.memory_space<vmem>>, vector<768x128xf32>
    %dot_general3A = arith.constant dense<0.000000e+00> : vector<2000x128xf32>
    %dot_general3A_5 = tpu.matmul %get3A_1, %get3A_4, %dot_general3A {dimension_numbers = #tpu.dot_dimension_numbers<[1], [0], [0], [1], [0, 0, 1, 1], [], []>, transpose_lhs_hint = false} : vector<2000x768xf32>, vector<768x128xf32>, vector<2000x128xf32> -> vector<2000x128xf32>
    %get3A_6 = arith.constant 0 : index
    %get3A_7 = arith.constant 0 : index
    %get3A_8 = vector.load %arg4[%get3A_6, %get3A_7] : memref<1x256xf32, #tpu.memory_space<vmem>>, vector<1x128xf32>
    %add3A = vector.broadcast %get3A_8 : vector<1x128xf32> to vector<2000x128xf32>
    %add3A_9 = arith.addf %dot_general3A_5, %add3A : vector<2000x128xf32>
    %get3A_10 = arith.constant 0 : index
    %get3A_11 = arith.constant 0 : index
    %get3A_12 = vector.load %arg3[%get3A_10, %get3A_11] : memref<768x128xf32, #tpu.memory_space<vmem>>, vector<768x128xf32>
    %dot_general3A_13 = arith.constant dense<0.000000e+00> : vector<2000x128xf32>
    %dot_general3A_14 = tpu.matmul %get3A_1, %get3A_12, %dot_general3A_13 {dimension_numbers = #tpu.dot_dimension_numbers<[1], [0], [0], [1], [0, 0, 1, 1], [], []>, transpose_lhs_hint = false} : vector<2000x768xf32>, vector<768x128xf32>, vector<2000x128xf32> -> vector<2000x128xf32>
    %get3A_15 = arith.constant 0 : index
    %get3A_16 = arith.constant 128 : index
    %get3A_17 = vector.load %arg4[%get3A_15, %get3A_16] : memref<1x256xf32, #tpu.memory_space<vmem>>, vector<1x128xf32>
    %add3A_18 = vector.broadcast %get3A_17 : vector<1x128xf32> to vector<2000x128xf32>
    %add3A_19 = arith.addf %dot_general3A_14, %add3A_18 : vector<2000x128xf32>
    %convert_element_type3A = arith.truncf %add3A_9 : vector<2000x128xf32> to vector<2000x128xbf16>
    %convert_element_type3A_20 = arith.extf %convert_element_type3A : vector<2000x128xbf16> to vector<2000x128xf32>
    %bitcast_convert_type3A = tpu.bitcast %convert_element_type3A_20 : vector<2000x128xf32> -> vector<2000x128xi32>
    %convert_element_type3A_21 = arith.truncf %add3A_19 : vector<2000x128xf32> to vector<2000x128xbf16>
    %convert_element_type3A_22 = arith.extf %convert_element_type3A_21 : vector<2000x128xbf16> to vector<2000x128xf32>
    %bitcast_convert_type3A_23 = tpu.bitcast %convert_element_type3A_22 : vector<2000x128xf32> -> vector<2000x128xi32>
    %shift_right_logical3A = arith.constant 16 : i32
    %shift_right_logical3A_24 = vector.broadcast %shift_right_logical3A : i32 to vector<2000x128xi32>
    %shift_right_logical3A_25 = arith.shrui %bitcast_convert_type3A, %shift_right_logical3A_24 : vector<2000x128xi32>
    %and3A = arith.constant -65536 : i32
    %and3A_26 = vector.broadcast %and3A : i32 to vector<2000x128xi32>
    %and3A_27 = arith.andi %bitcast_convert_type3A_23, %and3A_26 : vector<2000x128xi32>
    %or3A = arith.ori %shift_right_logical3A_25, %and3A_27 : vector<2000x128xi32>
    %swap3A = arith.constant 0 : index
    %swap3A_28 = arith.constant 0 : index
    %swap3A_29 = vector.load %arg5[%swap3A, %swap3A_28] : memref<2000x128xi32, #tpu.memory_space<vmem>>, vector<2000x128xi32>
    tpu.vector_store %arg5[%swap3A, %swap3A_28], %or3A {strides = array<i32>} : memref<2000x128xi32, #tpu.memory_space<vmem>>, vector<2000x128xi32>,
    return
  }
  func.func @transform_0(%arg0: i32) -> (i32, i32) {
    %c0_i32 = arith.constant 0 : i32
    %c0_i32_0 = arith.constant 0 : i32
    return %arg0, %c0_i32 : i32, i32
  }
  func.func @transform_1(%arg0: i32) -> (i32, i32) {
    %c0_i32 = arith.constant 0 : i32
    %c0_i32_0 = arith.constant 0 : i32
    %c0_i32_1 = arith.constant 0 : i32
    return %c0_i32, %c0_i32_0 : i32, i32
  }
  func.func @transform_2(%arg0: i32) -> (i32, i32) {
    %c0_i32 = arith.constant 0 : i32
    %c0_i32_0 = arith.constant 0 : i32
    %c0_i32_1 = arith.constant 0 : i32
    return %c0_i32, %c0_i32_0 : i32, i32
  }
  func.func @transform_3(%arg0: i32) -> (i32, i32) {
    %c0_i32 = arith.constant 0 : i32
    %c0_i32_0 = arith.constant 0 : i32
    %c0_i32_1 = arith.constant 0 : i32
    return %c0_i32, %c0_i32_0 : i32, i32
  }
  func.func @transform_4(%arg0: i32) -> (i32, i32) {
    %c0_i32 = arith.constant 0 : i32
    %c0_i32_0 = arith.constant 0 : i32
    return %arg0, %c0_i32 : i32, i32
  }
}

</mosaic_0001>

<sc_bundles>
// kernel: kernel.4.cloned.1.call-start
scs
__scs_entry_jumppad:
0x0: {  	(pc) =	sbr.rel $0x88, $3  }
0x1: {  	(tag) =	ssettag $0x0;
	lr =	simm.s32 $0x1  }
0x2: {  	[smem:$0x3F9D] =	sst lr;
	_ =	strace $0xD0000000  }
0x3: {  	_ = 	snop  }
0x4: {  	_ = 	snop  }
0x5: {  	_ = 	snop  }
0x6: {  	_ = 	snop  }
0x7: {  	_ = 	snop  }
__scs_overlays_trampoline_lowered:
0x8: {  	[smem:$0x3FAC] =	sst s0  }
0x9: {  	[smem:$0x3FAD] =	sst s1  }
0xa: {  	[smem:$0x3FAE] =	sst s2  }
0xb: {  	[smem:$0x3FAF] =	sst s3  }
0xc: {  	[smem:$0x3FB0] =	sst s4  }
0xd: {  	[smem:$0x3FB1] =	sst s5  }
0xe: {  	[smem:$0x3FB2] =	sst s6  }
0xf: {  	[smem:$0x3FB3] =	sst s7  }
0x10: {  	[smem:$0x3FB4] =	sst s8  }
0x11: {  	[smem:$0x3FB5] =	sst s9;
	s0 =	simm.s32 @!p0 $0x0  }
0x12: {  	s1 =	sld [smem:$0x3F9B];
	s0 =	simm.s32 @p0 $0x1  }
0x13: {  	[smem:$0x3FB6] =	sst s0;
	s0 =	simm.s32 @!p1 $0x0  }
0x14: {  	s2 =	sld [smem:$0x3F9A];
	s0 =	simm.s32 @p1 $0x1  }
0x15: {  	[smem:$0x3FB7] =	sst s0;
	s0 =	simm.s32 @!p2 $0x0  }
0x16: {  	s3 =	sld [smem:$0x3FDB];
	s0 =	simm.s32 @p2 $0x1  }
0x17: {  	s4 =	simm.s32 $0x1BF5;
	[smem:$0x3FB9] =	sst s0  }
0x18: {  	s0 =	sld [smem:$0x3F9C];
	_ =	swait.ge [sflag:s4], $0x0  }
0x19: {  	s7 =	sld [smem:$0x3F9D]  }
0x1a: {  	s8 =	sadd.s32 $0xFFFFE003, lr  }
0x1b: {  	s9 =	sadd.s32 $0xFFFFFEF7, lr;
	s5 =	simm.s32 $0xFFFFFFFF;
	p2 =	slt.u32 s8, $0xFFFFF086  }
0x1c: {  	p1 =	slt.u32 s9, $0xF7A;
	s5 =	simm.s32 @!p2 $0x0  }
0x1d: {  	s5 =	simm.s32 @p1 $0x1;
	p0 =	seq.s32 s7, s2  }
0x1e: {  	s7 =	smul.u32 @!p0 $0xF7A, s2;
	p2 =	seq.s32 @!p0 s5, $0x0  }
0x1f: {  	s9 =	smul.u32 $0xF7A, s1;
	s8 =	simm.s32 @!p0 $0x1BF5;
	p2 =	por !p2, p0  }
0x20: {  	[sflag:s8] =	ssyncset.s32 @!p0 $0xFFFFF086;
	s6 =	sadd.s32 @!p0 s3, s7;
	s7 =	simm.s32 @!p0 $0x108  }
0x21: {  	s3 =	sadd.s32 s3, s9;
	s6 =	sadd.s32 @!p0 $0x88, s6;
	s7 =	simm.s32 @p2 $0x1082  }
0x22: {  	[simem:s7], [sflag:s8] =	dma.local @!p0 [hbm:s6], $0xF7A  }
0x23: {  	s9 =	sor.u32 $0xD0000000, s2;
	s6 =	simm.s32 $0x108;
	_ =	swait.ge @!p0 [sflag:s8], $0x0  }
0x24: {  	s3 =	sadd.s32 $0x88, s3;
	s6 =	simm.s32 @!p1 $0x1082;
	[sflag:s4] =	ssyncset.s32 $0xFFFFF086  }
0x25: {  	[simem:s6], [sflag:s4] =	dma.local [hbm:s3], $0xF7A  }
0x26: {  	[smem:$0x3F9D] =	sst s1;
	(tag) =	ssettag s2;
	_ =	strace s9  }
0x27: {  	s1 =	sld [smem:$0x3FAD]  }
0x28: {  	s2 =	sld [smem:$0x3FAE]  }
0x29: {  	s4 =	sld [smem:$0x3FB0]  }
0x2a: {  	p0 =	seq.s32 s5, $0x0;
	s5 =	sld [smem:$0x3FB1]  }
0x2b: {  	s6 =	sld [smem:$0x3FB2]  }
0x2c: {  	s7 =	sld [smem:$0x3FB3]  }
0x2d: {  	s3 =	simm.s32 $0x108;
	s8 =	sld [smem:$0x3FB4]  }
0x2e: {  	s3 =	simm.s32 @!p0 $0x1082;
	s9 =	sld [smem:$0x3FB5]  }
0x2f: {  	lr =	sadd.s32 s0, s3;
	s0 =	sld [smem:$0x3FAC]  }
0x30: {  	s3 =	sld [smem:$0x3FAF]  }
0x31: {  	[smem:$0x3FB8] =	sst s10  }
0x32: {  	s10 =	sld [smem:$0x3FB6];
	_ =	sdelay $0x3  }
0x33: {  	p0 =	seq.s32 s10, $0x1;
	s10 =	sld [smem:$0x3FB8];
	_ =	sdelay $0x3  }
0x34: {  	[smem:$0x3FB8] =	sst s10  }
0x35: {  	s10 =	sld [smem:$0x3FB7];
	_ =	sdelay $0x3  }
0x36: {  	p1 =	seq.s32 s10, $0x1;
	s10 =	sld [smem:$0x3FB8];
	_ =	sdelay $0x3  }
0x37: {  	[smem:$0x3FB8] =	sst s10  }
0x38: {  	s10 =	sld [smem:$0x3FB9]  }
0x39: {  	_ = 	snop;
	(pc) =	sbr.ind lr, $3  }
0x3a: {  	_ = 	snop  }
0x3b: {  	_ = 	snop  }
0x3c: {  	p2 =	seq.s32 s10, $0x1;
	s10 =	sld [smem:$0x3FB8]  }
0x3d: {  	_ =	shalt  }
0x3e: {  	_ =	shalt  }
0x3f: {  	_ =	shalt  }
0x40: {  	_ =	shalt  }
0x41: {  	_ =	shalt  }
0x42: {  	_ =	shalt  }
0x43: {  	_ =	shalt  }
0x44: {  	_ =	shalt  }
0x45: {  	_ =	shalt  }
0x46: {  	_ =	shalt  }
0x47: {  	_ =	shalt  }
0x48: {  	_ =	shalt  }
0x49: {  	_ =	shalt  }
0x4a: {  	_ =	shalt  }
0x4b: {  	_ =	shalt  }
0x4c: {  	_ =	shalt  }
0x4d: {  	_ =	shalt  }
0x4e: {  	_ =	shalt  }
0x4f: {  	_ =	shalt  }
0x50: {  	_ =	shalt  }
0x51: {  	_ =	shalt  }
0x52: {  	_ =	shalt  }
0x53: {  	_ =	shalt  }
0x54: {  	_ =	shalt  }
0x55: {  	_ =	shalt  }
0x56: {  	_ =	shalt  }
0x57: {  	_ =	shalt  }
0x58: {  	_ =	shalt  }
0x59: {  	_ =	shalt  }
0x5a: {  	_ =	shalt  }
0x5b: {  	_ =	shalt  }
0x5c: {  	_ =	shalt  }
0x5d: {  	_ =	shalt  }
0x5e: {  	_ =	shalt  }
0x5f: {  	_ =	shalt  }
0x60: {  	_ =	shalt  }
0x61: {  	_ =	shalt  }
0x62: {  	_ =	shalt  }
0x63: {  	_ =	shalt  }
0x64: {  	_ =	shalt  }
0x65: {  	_ =	shalt  }
0x66: {  	_ =	shalt  }
0x67: {  	_ =	shalt  }
0x68: {  	_ =	shalt  }
0x69: {  	_ =	shalt  }
0x6a: {  	_ =	shalt  }
0x6b: {  	_ =	shalt  }
0x6c: {  	_ =	shalt  }
0x6d: {  	_ =	shalt  }
0x6e: {  	_ =	shalt  }
0x6f: {  	_ =	shalt  }
0x70: {  	_ =	shalt  }
0x71: {  	_ =	shalt  }
0x72: {  	_ =	shalt  }
0x73: {  	_ =	shalt  }
0x74: {  	_ =	shalt  }
0x75: {  	_ =	shalt  }
0x76: {  	_ =	shalt  }
0x77: {  	_ =	shalt  }
0x78: {  	_ =	shalt  }
0x79: {  	_ =	shalt  }
0x7a: {  	_ =	shalt  }
0x7b: {  	_ =	shalt  }
0x7c: {  	_ =	shalt  }
0x7d: {  	_ =	shalt  }
0x7e: {  	_ =	shalt  }
0x7f: {  	_ =	shalt  }
0x80: {  	_ =	shalt  }
0x81: {  	_ =	shalt  }
0x82: {  	_ =	shalt  }
0x83: {  	_ =	shalt  }
0x84: {  	_ =	shalt  }
0x85: {  	_ =	shalt  }
0x86: {  	_ =	shalt  }
0x87: {  	_ =	shalt  }
.Lfunc_end0:
.L_simem_size_0:
called_computation_lowered:
.L_overlay_start_0:
0x88: {  	s2 =	sld [smem:$0x3FD9]  }
0x89: {  	s3 =	sld [smem:$0x3FFE];
	_ =	sdelay $0x1  }
0x8a: {  	s1 =	srdreg.scid  }
0x8b: {  	s0 =	sand.u32 $0x1, s1  }
0x8c: {  	s17 =	sshll.u32 s0, $0xA;
	s2 =	sadd.s32 s3, s2  }
0x8d: {  	s2 =	sadd.s32 s2, s17  }
0x8e: {  	[smem:$0x3FC4] =	sst s2  }
0x8f: {  	_ = 	snop  }
0x90: {  	s2 =	sld [smem:$0x3FD0];
	(tm) =	ssettm $0x1  }
0x91: {  	s18 =	sld [smem:$0x3FFB];
	_ =	sdelay $0x3  }
0x92: {  	_ =	strace s18  }
0x93: {  	s3 =	sld [smem:$0x3FFC];
	_ =	sdelay $0x3  }
0x94: {  	_ =	strace s3  }
0x95: {  	s3 =	sld [smem:$0x3FFD];
	_ =	sdelay $0x3  }
0x96: {  	_ =	strace s3  }
0x97: {  	_ =	strace $0x8FFFFFFF  }
0x98: {  	s19 =	sld [smem:$0x3FDB];
	_ =	sdelay $0x1  }
0x99: {  	s4 =	simm.s32 $_scs_section_size  }
0x9a: {  	s5 =	simm.s32 $_size__tile_overlayer_lowered;
	s6 =	simm.s32 $_tile_overlayer_lowered  }
0x9b: {  	s22 =	simm.s32 $0x1BFF;
	s21 =	sshll.u32 s6, $0x1;
	s3 =	sadd.s32 s4, s19  }
0x9c: {  	s7 =	simm.s32 $0x0;
	s20 =	sshll.u32 s5, $0x1;
	s5 =	sadd.s32 s21, s3  }
0x9d: {  	[timem:s7], [sflag:s22] =	dma.local [hbm:s5], s20  }
0x9e: {  	_ =	swait.ge [sflag:s22], s20  }
0x9f: {  	s4 =	ssub.s32 $0x0, s20;
	[sflag:s22] =	ssyncset.done $0x0  }
0xa0: {  	[sflag:s22] =	ssyncadd.s32 s4;
	_ =	sdelay $0x1  }
0xa1: {  	s23 =	simm.s32 $0x1B8B  }
0xa2: {  	_ =	swait.ge [sflag:s23], $0x1  }
0xa3: {  	[sflag:s23] =	ssyncset.done $0x0  }
0xa4: {  	s25 =	simm.s32 $0x1B8E;
	s24 =	sld [smem:$0x3FFE];
	[sflag:s23] =	ssyncadd.s32 $0xFFFFFFFF  }
0xa5: {  	s26 =	simm.s32 $execute0_lowered;
	[smem:$0x3FD2] =	sst s25  }
0xa6: {  	s5 =	sshll.u32 s26, $0x1;
	_ =	strace $0x80000046;
	[dreg:$0x1] =	wrdreg $0xFFFFFFFF  }
0xa7: {  	s28 =	simm.s32 $_size_execute0_lowered;
	s3 =	sadd.s32 s3, s5;
	[dreg:$0x0] =	wrdreg $0x0  }
0xa8: {  	s5 =	sshll.u32 s28, $0x1;
	[dreg:$0x2] =	wrdreg s3  }
0xa9: {  	[dreg:$0x3] =	wrdreg s5  }
0xaa: {  	[dreg:$0x4] =	wrdreg $0xC0  }
0xab: {  	_ =	task [dreg:s7], $0x5FFFF  }
0xac: {  	[dreg:$0x1] =	wrdreg $0xFFFFFFFF  }
0xad: {  	[dreg:$0x0] =	wrdreg $0x60  }
0xae: {  	[dreg:$0x2] =	wrdreg s24  }
0xaf: {  	[dreg:$0x3] =	wrdreg s2  }
0xb0: {  	[dreg:$0x4] =	wrdreg $0x9  }
0xb1: {  	_ =	task.clear_ibuf [dreg:s7], $0x5FFFF;
	_ =	strace $0x90000046  }
0xb2: {  	s29 =	simm.s32 $0x9;
	_ =	strace $0x80000048  }
0xb3: {  	_ =	swait.ge [sflag:s29], $0x1  }
0xb4: {  	[sflag:s29] =	ssyncadd.s32 $0xFFFFFFFF  }
0xb5: {  	_ =	strace $0x90000048  }
0xb6: {  	_ =	sfence  }
0xb7: {  	s30 =	sld [smem:$0x0];
	_ =	sdelay $0x2  }
0xb8: {  	s31 =	sshll.u32 s1, $0xD;
	s1 =	sshrl.u32 s1, $0x2  }
0xb9: {  	s3 =	sand.u32 $0x4000, s31;
	s1 =	sadd.s32 s1, s30  }
0xba: {  	s0 =	sor.u32 s3, s0;
	s1 =	sshll.u32 s1, $0x11  }
0xbb: {  	s0 =	sor.u32 s1, s0  }
0xbc: {  	s0 =	sadd.s32 $0x8F2B, s0  }
0xbd: {  	[sflag:s0] =	ssyncadd.remote.s32 $0x1  }
0xbe: {  	_ =	sfence.sel $0xFFFF  }
0xbf: {  	[dreg:$0x0] =	wrdreg $0xFFFFFFFF;
	(pc) =	sbr.abs _section_cstart, $3  }
0xc0: {  	[dreg:$0x1] =	wrdreg $0xFFFFFFFF  }
0xc1: {  	_ =	task.clear_ibuf [dreg:s7], $0x2FFFF;
	_ =	strace $0x9FFFFFFF  }
0xc2: {  	(tm) =	ssettm $0x7FFFFFFF  }
0xc3: {  	_ =	shalt  }
tec
execute0_lowered:
.L_overlay_start_1:
0x0: {  	(tag) =	ssettag $0x1  }
0x1: {  	s4 =	rddreg [dreg:$0x0]  }
0x2: {  	s5 =	rddreg [dreg:$0x1]  }
0x3: {  	s0 =	rddreg [dreg:$0x2]  }
0x4: {  	s2 =	simm.s32 $0x0;
	s3 =	srdreg.scid;
	s1 =	stileid.u32  }
0x5: {  	s9 =	simm.s32 $0x8000;
	s10 =	simm.s32 $0x80;
	s11 =	simm.s32 $0xB400  }
0x6: {  	s12 =	simm.s32 $0x100;
	s13 =	simm.s32 $0xE800;
	s14 =	simm.s32 $0x180  }
0x7: {  	s15 =	simm.s32 $0x11C00;
	s16 =	simm.s32 $0x1;
	s17 =	simm.s32 $0x2  }
0x8: {  	s18 =	simm.s32 $0x3;
	s19 =	simm.s32 $0x4;
	s20 =	simm.s32 $0x15000  }
0x9: {  	s21 =	simm.s32 $0x0;
	[smem:$0x7FF] =	sst s2;
	s3 =	sand.u32 $0x1, s3  }
.Ltmp0:
0xa: {  	s6 =	sshll.u32 s1, $0xD;
	s7 =	sshll.u32 s3, $0xC;
	(pc) =	sbr.rel .LBB2_1-.Ltmp0, $4  }
0xb: {  	s8 =	ssub.s32 $0x2, s3;
	_ =	strace $0x80000047;
	s6 =	sor.u32 s7, s6  }
0xc: {  	s3 =	sadd.s32 $0x20800, s4;
	s31 =	sshrl.u32 s8, $0x1;
	s4 =	sadd.s32 s6, s4  }
0xd: {  	s7 =	ssub.s32 s8, s31;
	s5 =	sadd.s32 s5, s6;
	s8 =	simm.s32 $0x64  }
0xe: {  	s4 =	sadd.s32 $0x800, s4;
	s6 =	smax.u32 s7, $0x1;
	s7 =	simm.s32 $0x5  }
.LBB2_12:
0xf: {  	s21 =	sadd.s32 $0x1, s21  }
0x10: {  	p0 =	sne.s32 s21, s6  }
.Ltmp1:
0x11: {  	_ = 	snop;
	(pc) =	sbr.rel @!p0 .LBB2_13-.Ltmp1, $4  }
0x12: {  	[hbm4b:s5+s2] =	stream.linear.scatter [tilespmem:s20], [sflag:$0x5], $0x8000, $0x38;
	[tilespmem:$0x1D000] =	vst v63  }
0x13: {  	_ =	swait.ge [sflag:s7], $0x8000  }
0x14: {  	[sflag:s7] =	ssyncset.done $0x0  }
0x15: {  	[sflag:s7] =	ssyncadd.s32 $0xFFFF8000  }
.LBB2_1:
0x16: {  	[tilespmem:s2], [sflag:$0x5] =	stream.linear.gather [hbm4b:s4+s2], $0x8000, $0x38;
	[tilespmem:$0x1D000] =	vst v63  }
0x17: {  	_ =	swait.ge [sflag:s7], $0x8000  }
0x18: {  	[sflag:s7] =	ssyncset.done $0x0  }
0x19: {  	[sflag:s7] =	ssyncadd.s32 $0xFFFF8000  }
0x1a: {  	[tilespmem:s9], [sflag:$0x1] =	stream.indirect.gather [hbm4b:s3+s8], $0x80, s2, s8, $0xb8;
	[tilespmem:$0x1D000] =	vst v63  }
0x1b: {  	_ = 	snop  }
0x1c: {  	[tilespmem:s11], [sflag:$0x2] =	stream.indirect.gather [hbm4b:s3+s8], $0x80, s10, s8, $0xb8;
	[tilespmem:$0x1D000] =	vst v63  }
0x1d: {  	_ = 	snop  }
0x1e: {  	[tilespmem:s13], [sflag:$0x3] =	stream.indirect.gather [hbm4b:s3+s8], $0x80, s12, s8, $0xb8;
	[tilespmem:$0x1D000] =	vst v63  }
0x1f: {  	s22 =	simm.s32 $0x0  }
0x20: {  	[tilespmem:s15], [sflag:$0x4] =	stream.indirect.gather [hbm4b:s3+s8], $0x80, s14, s8, $0xb8;
	[tilespmem:$0x1D000] =	vst v63  }
.LBB2_2:
0x21: {  	_ =	swait.ge [sflag:s16], $0x3200  }
0x22: {  	[sflag:s16] =	ssyncset.done $0x0  }
0x23: {  	s25 =	simm.s32 $0x0;
	[sflag:s16] =	ssyncadd.s32 $0xFFFFCE00  }
0x24: {  	v0 =	vld [tilespmem:s25+$0x8070]  }
0x25: {  	v1 =	vld [tilespmem:s25+$0x8000]  }
0x26: {  	v5 =	vimm.f32 $0.0e+00;
	v3 =	vld [tilespmem:s25+$0x8010]  }
0x27: {  	v14 =	vimm.f32 $0.0e+00;
	v15 =	vimm.f32 $0.0e+00;
	v13 =	vimm.f32 $0.0e+00  }
0x28: {  	v10 =	vimm.f32 $0.0e+00;
	v11 =	vimm.f32 $0.0e+00;
	v8 =	vimm.f32 $0.0e+00;
	v18 =	vld [tilespmem:s25+$0x8020]  }
0x29: {  	v6 =	vimm.f32 $0.0e+00;
	v12 =	vimm.f32 $0.0e+00;
	v9 =	vimm.f32 $0.0e+00;
	v16 =	vld [tilespmem:s25+$0x8030]  }
0x2a: {  	v17 =	vld [tilespmem:s25+$0x8040];
	v2 =	vshll.u32 v0, $0x10;
	v4 =	vadd.f32 v0, v5;
	v0 =	vshll.u32 v1, $0x10  }
0x2b: {  	v19 =	vld [tilespmem:s25+$0x8050];
	v1 =	vadd.f32 v1, v5;
	v21 =	vshll.u32 v3, $0x10;
	v3 =	vadd.f32 v3, v5  }
0x2c: {  	s23 =	simm.s32 $0x80;
	s24 =	simm.s32 $0x400;
	v7 =	vimm.f32 $0.0e+00;
	v20 =	vld [tilespmem:s25+$0x8060];
	v2 =	vadd.f32 v2, v5;
	v0 =	vadd.f32 v0, v5  }
.LBB2_3:
0x2d: {  	p0 =	sne.s32 s24, $0xC600;
	v22 =	vld [tilespmem:s23+$0x8070];
	v5 =	vadd.f32 v21, v5;
	v21 =	vshll.u32 v18, $0x10;
	v14 =	vadd.f32 v18, v14  }
0x2e: {  	v23 =	vld [tilespmem:s23+$0x8000];
	v15 =	vadd.f32 v21, v15;
	v18 =	vshll.u32 v16, $0x10;
	v13 =	vadd.f32 v16, v13  }
0x2f: {  	v24 =	vld [tilespmem:s23+$0x8010];
	v10 =	vadd.f32 v18, v10;
	v16 =	vshll.u32 v17, $0x10;
	v11 =	vadd.f32 v17, v11  }
.Ltmp2:
0x30: {  	v18 =	vld [tilespmem:s23+$0x8020];
	v8 =	vadd.f32 v16, v8;
	v17 =	vshll.u32 v19, $0x10;
	v6 =	vadd.f32 v19, v6;
	(pc) =	sbr.rel @p0 .LBB2_3-.Ltmp2, $4  }
0x31: {  	v16 =	vld [tilespmem:s23+$0x8030];
	v12 =	vadd.f32 v17, v12;
	v19 =	vshll.u32 v20, $0x10;
	v9 =	vadd.f32 v20, v9  }
0x32: {  	v17 =	vld [tilespmem:s23+$0x8040];
	v20 =	vshll.u32 v22, $0x10;
	v4 =	vadd.f32 v22, v4;
	v7 =	vadd.f32 v19, v7  }
0x33: {  	v21 =	vshll.u32 v23, $0x10;
	v1 =	vadd.f32 v23, v1;
	v19 =	vld [tilespmem:s23+$0x8050];
	v2 =	vadd.f32 v20, v2  }
0x34: {  	v0 =	vadd.f32 v21, v0;
	v21 =	vshll.u32 v24, $0x10;
	v3 =	vadd.f32 v24, v3;
	v20 =	vld [tilespmem:s23+$0x8060];
	s23 =	sshra.s32 s24, $0x2;
	s24 =	sadd.s32 $0x200, s24  }
0x35: {  	v22 =	vld [tilespmem:s23+$0x8070]  }
0x36: {  	v23 =	vld [tilespmem:s23+$0x8000]  }
0x37: {  	v24 =	vld [tilespmem:s23+$0x8010];
	v5 =	vadd.f32 v21, v5;
	v21 =	vshll.u32 v18, $0x10;
	v18 =	vadd.f32 v18, v14  }
0x38: {  	v25 =	vld [tilespmem:s23+$0x8020];
	v15 =	vadd.f32 v21, v15;
	v14 =	vshll.u32 v16, $0x10;
	v13 =	vadd.f32 v16, v13  }
0x39: {  	v16 =	vld [tilespmem:s23+$0x8030];
	v10 =	vadd.f32 v14, v10;
	v14 =	vshll.u32 v17, $0x10;
	v11 =	vadd.f32 v17, v11  }
0x3a: {  	v17 =	vld [tilespmem:s23+$0x8040];
	v8 =	vadd.f32 v14, v8;
	v14 =	vshll.u32 v19, $0x10;
	v6 =	vadd.f32 v19, v6  }
0x3b: {  	v19 =	vld [tilespmem:s23+$0x8050];
	v12 =	vadd.f32 v14, v12;
	v14 =	vshll.u32 v20, $0x10;
	v9 =	vadd.f32 v20, v9  }
0x3c: {  	v20 =	vld [tilespmem:s23+$0x8060];
	_ =	swait.ge [sflag:s17], $0x3200;
	v7 =	vadd.f32 v14, v7;
	v21 =	vadd.f32 v22, v4;
	v4 =	vshll.u32 v22, $0x10  }
0x3d: {  	v22 =	vadd.f32 v23, v1;
	v1 =	vshll.u32 v23, $0x10;
	[sflag:s17] =	ssyncset.done $0x0;
	v23 =	vadd.f32 v4, v2  }
0x3e: {  	s25 =	simm.s32 $0x0;
	v26 =	vadd.f32 v1, v0;
	v0 =	vshll.u32 v24, $0x10;
	v24 =	vadd.f32 v24, v3;
	[sflag:s17] =	ssyncadd.s32 $0xFFFFCE00  }
0x3f: {  	v1 =	vadd.f32 v25, v18;
	v14 =	vadd.f32 v0, v5;
	v0 =	vshll.u32 v25, $0x10;
	v63 =	vld [tilespmem:s25+$0xB470]  }
0x40: {  	v2 =	vadd.f32 v16, v13;
	v13 =	vld [tilespmem:s25+$0xB400];
	v15 =	vadd.f32 v0, v15;
	v0 =	vshll.u32 v16, $0x10  }
0x41: {  	v3 =	vadd.f32 v17, v11;
	v16 =	vadd.f32 v0, v10;
	v0 =	vshll.u32 v17, $0x10;
	v10 =	vld [tilespmem:s25+$0xB410]  }
0x42: {  	v4 =	vadd.f32 v19, v6;
	v17 =	vadd.f32 v0, v8;
	v0 =	vshll.u32 v19, $0x10;
	v8 =	vld [tilespmem:s25+$0xB420]  }
0x43: {  	v5 =	vadd.f32 v20, v9;
	v9 =	vld [tilespmem:s25+$0xB430];
	v19 =	vadd.f32 v0, v12;
	v0 =	vshll.u32 v20, $0x10  }
0x44: {  	v18 =	vadd.f32 v0, v7;
	v7 =	vld [tilespmem:s25+$0xB440];
	v12 =	vshll.u32 v63, $0x10;
	v0 =	vadd.f32 v63, v21  }
0x45: {  	v11 =	vld [tilespmem:s25+$0xB450];
	v20 =	vshll.u32 v13, $0x10;
	v6 =	vadd.f32 v13, v22;
	v12 =	vadd.f32 v12, v23  }
0x46: {  	s24 =	simm.s32 $0x400;
	s23 =	simm.s32 $0x80;
	v13 =	vld [tilespmem:s25+$0xB460];
	v20 =	vadd.f32 v20, v26;
	v21 =	vshll.u32 v10, $0x10;
	v10 =	vadd.f32 v10, v24  }
.LBB2_5:
0x47: {  	p0 =	sne.s32 s24, $0xC600;
	v22 =	vld [tilespmem:s23+$0xB470];
	v14 =	vadd.f32 v21, v14;
	v21 =	vshll.u32 v8, $0x10;
	v1 =	vadd.f32 v8, v1  }
0x48: {  	v23 =	vld [tilespmem:s23+$0xB400];
	v15 =	vadd.f32 v21, v15;
	v8 =	vshll.u32 v9, $0x10;
	v2 =	vadd.f32 v9, v2  }
0x49: {  	v24 =	vld [tilespmem:s23+$0xB410];
	v16 =	vadd.f32 v8, v16;
	v9 =	vshll.u32 v7, $0x10;
	v3 =	vadd.f32 v7, v3  }
.Ltmp3:
0x4a: {  	v8 =	vld [tilespmem:s23+$0xB420];
	v17 =	vadd.f32 v9, v17;
	v7 =	vshll.u32 v11, $0x10;
	v4 =	vadd.f32 v11, v4;
	(pc) =	sbr.rel @p0 .LBB2_5-.Ltmp3, $4  }
0x4b: {  	v9 =	vld [tilespmem:s23+$0xB430];
	v19 =	vadd.f32 v7, v19;
	v11 =	vshll.u32 v13, $0x10;
	v5 =	vadd.f32 v13, v5  }
0x4c: {  	v7 =	vld [tilespmem:s23+$0xB440];
	v13 =	vshll.u32 v22, $0x10;
	v0 =	vadd.f32 v22, v0;
	v18 =	vadd.f32 v11, v18  }
0x4d: {  	v21 =	vshll.u32 v23, $0x10;
	v6 =	vadd.f32 v23, v6;
	v11 =	vld [tilespmem:s23+$0xB450];
	v12 =	vadd.f32 v13, v12  }
0x4e: {  	v20 =	vadd.f32 v21, v20;
	v21 =	vshll.u32 v24, $0x10;
	v10 =	vadd.f32 v24, v10;
	v13 =	vld [tilespmem:s23+$0xB460];
	s23 =	sshra.s32 s24, $0x2;
	s24 =	sadd.s32 $0x200, s24  }
0x4f: {  	v22 =	vld [tilespmem:s23+$0xB400]  }
0x50: {  	v23 =	vld [tilespmem:s23+$0xB410]  }
0x51: {  	v25 =	vld [tilespmem:s23+$0xB420]  }
0x52: {  	v24 =	vshll.u32 v8, $0x10;
	v14 =	vadd.f32 v21, v14;
	v61 =	vld [tilespmem:s23+$0xB430];
	v21 =	vshll.u32 v9, $0x10  }
0x53: {  	v27 =	vld [tilespmem:s23+$0xB440];
	v1 =	vadd.f32 v8, v1;
	v16 =	vadd.f32 v21, v16;
	v21 =	vshll.u32 v7, $0x10  }
0x54: {  	v62 =	vld [tilespmem:s23+$0xB450];
	v15 =	vadd.f32 v24, v15;
	v17 =	vadd.f32 v21, v17;
	v21 =	vshll.u32 v22, $0x10  }
0x55: {  	v29 =	vld [tilespmem:s23+$0xB460];
	v2 =	vadd.f32 v9, v2;
	v20 =	vadd.f32 v21, v20;
	v21 =	vshll.u32 v23, $0x10  }
0x56: {  	v63 =	vld [tilespmem:s23+$0xB470];
	s24 =	sshll.u32 s22, $0x8;
	s23 =	sshll.u32 s22, $0x9;
	v3 =	vadd.f32 v7, v3;
	v14 =	vadd.f32 v21, v14  }
0x57: {  	s25 =	sand.u32 $0x7800, s23;
	s24 =	sand.u32 $0x300, s24;
	v26 =	vshll.u32 v11, $0x10;
	v6 =	vadd.f32 v22, v6;
	v20 =	vmul.f32 $4.999999890e-03, v20  }
0x58: {  	s24 =	sor.u32 s24, s25;
	v4 =	vadd.f32 v11, v4;
	v9 =	vadd.f32 v23, v10;
	v14 =	vmul.f32 $4.999999890e-03, v14  }
0x59: {  	v19 =	vadd.f32 v26, v19;
	v1 =	vadd.f32 v25, v1;
	v6 =	vmul.f32 $4.999999890e-03, v6;
	[tilespmem:s24+$0x15000] =	vst v20;
	s24 =	sadd.s32 $0x15000, s24  }
0x5a: {  	v28 =	vshll.u32 v13, $0x10;
	v2 =	vadd.f32 v61, v2;
	v7 =	vmul.f32 $4.999999890e-03, v9;
	[tilespmem:s24+$0x10] =	vst v14  }
0x5b: {  	v0 =	vadd.f32 v63, v0;
	v21 =	vshll.u32 v25, $0x10;
	v1 =	vmul.f32 $4.999999890e-03, v1;
	[tilespmem:s24+$0x400] =	vst v6  }
0x5c: {  	v2 =	vmul.f32 $4.999999890e-03, v2;
	v15 =	vadd.f32 v21, v15;
	v21 =	vshll.u32 v61, $0x10;
	[tilespmem:s24+$0x410] =	vst v7  }
0x5d: {  	v5 =	vadd.f32 v13, v5;
	v0 =	vmul.f32 $4.999999890e-03, v0;
	v16 =	vadd.f32 v21, v16;
	[tilespmem:s24+$0x420] =	vst v1  }
0x5e: {  	v18 =	vadd.f32 v28, v18;
	v3 =	vadd.f32 v27, v3;
	v15 =	vmul.f32 $4.999999890e-03, v15;
	[tilespmem:s24+$0x430] =	vst v2  }
0x5f: {  	v4 =	vadd.f32 v62, v4;
	v21 =	vshll.u32 v27, $0x10;
	v16 =	vmul.f32 $4.999999890e-03, v16;
	[tilespmem:s24+$0x470] =	vst v0  }
0x60: {  	v17 =	vadd.f32 v21, v17;
	v20 =	vshll.u32 v62, $0x10;
	v1 =	vmul.f32 $4.999999890e-03, v3;
	[tilespmem:s24+$0x20] =	vst v15  }
0x61: {  	v5 =	vadd.f32 v29, v5;
	v19 =	vadd.f32 v20, v19;
	v2 =	vmul.f32 $4.999999890e-03, v4;
	[tilespmem:s24+$0x30] =	vst v16  }
0x62: {  	v14 =	vshll.u32 v29, $0x10;
	v15 =	vshll.u32 v63, $0x10;
	v17 =	vmul.f32 $4.999999890e-03, v17;
	[tilespmem:s24+$0x440] =	vst v1  }
0x63: {  	v14 =	vadd.f32 v14, v18;
	v12 =	vadd.f32 v15, v12;
	v15 =	vmul.f32 $4.999999890e-03, v19;
	[tilespmem:s24+$0x450] =	vst v2  }
0x64: {  	v1 =	vmul.f32 $4.999999890e-03, v5;
	[tilespmem:s24+$0x40] =	vst v17  }
0x65: {  	p0 =	seq.s32 s22, $0x3F;
	v8 =	vmul.f32 $4.999999890e-03, v14;
	[tilespmem:s24+$0x50] =	vst v15  }
0x66: {  	s25 =	sshll.u32 @!p0 s22, $0x9;
	v10 =	vmul.f32 $4.999999890e-03, v12;
	[tilespmem:s24+$0x460] =	vst v1  }
0x67: {  	s25 =	sand.u32 @!p0 $0x3FFFFE00, s25;
	[tilespmem:s24+$0x60] =	vst v8  }
0x68: {  	s28 =	simm.s32 @!p0 $0x64;
	s29 =	simm.s32 @!p0 $0x8000;
	s26 =	sadd.s32 @!p0 $0x200, s25;
	[tilespmem:s24+$0x70] =	vst v10  }
0x69: {  	[tilespmem:s29], [sflag:$0x1] =	stream.indirect.gather @!p0 [hbm4b:s3+s28], $0x80, s26, s28, $0xb8;
	[tilespmem:$0x1D000] =	vst v63  }
0x6a: {  	s25 =	sadd.s32 @!p0 $0x280, s25;
	s26 =	simm.s32 @!p0 $0xB400  }
0x6b: {  	[tilespmem:s26], [sflag:$0x2] =	stream.indirect.gather @!p0 [hbm4b:s3+s28], $0x80, s25, s28, $0xb8;
	[tilespmem:$0x1D000] =	vst v63  }
0x6c: {  	_ =	swait.ge [sflag:s18], $0x3200  }
0x6d: {  	[sflag:s18] =	ssyncset.done $0x0  }
0x6e: {  	s31 =	simm.s32 $0x0;
	[sflag:s18] =	ssyncadd.s32 $0xFFFFCE00  }
0x6f: {  	v0 =	vld [tilespmem:s31+$0xE870]  }
0x70: {  	v1 =	vld [tilespmem:s31+$0xE800]  }
0x71: {  	v11 =	vimm.f32 $0.0e+00;
	v3 =	vld [tilespmem:s31+$0xE810]  }
0x72: {  	v13 =	vimm.f32 $0.0e+00;
	v9 =	vimm.f32 $0.0e+00;
	v6 =	vimm.f32 $0.0e+00  }
0x73: {  	v7 =	vimm.f32 $0.0e+00;
	v5 =	vimm.f32 $0.0e+00;
	v14 =	vimm.f32 $0.0e+00;
	v18 =	vld [tilespmem:s31+$0xE820]  }
0x74: {  	v15 =	vimm.f32 $0.0e+00;
	v12 =	vimm.f32 $0.0e+00;
	v8 =	vimm.f32 $0.0e+00;
	v16 =	vld [tilespmem:s31+$0xE830]  }
0x75: {  	v17 =	vld [tilespmem:s31+$0xE840];
	v2 =	vshll.u32 v0, $0x10;
	v4 =	vadd.f32 v0, v5;
	v0 =	vshll.u32 v1, $0x10  }
0x76: {  	v19 =	vld [tilespmem:s31+$0xE850];
	v1 =	vadd.f32 v1, v5;
	v21 =	vshll.u32 v3, $0x10;
	v3 =	vadd.f32 v3, v5  }
0x77: {  	v10 =	vimm.f32 $0.0e+00;
	s25 =	simm.s32 $0x80;
	s26 =	simm.s32 $0x400;
	v20 =	vld [tilespmem:s31+$0xE860];
	v2 =	vadd.f32 v2, v5;
	v0 =	vadd.f32 v0, v5  }
.LBB2_7:
0x78: {  	p1 =	sne.s32 s26, $0xC600;
	v22 =	vld [tilespmem:s25+$0xE870];
	v5 =	vadd.f32 v21, v5;
	v21 =	vshll.u32 v18, $0x10;
	v14 =	vadd.f32 v18, v14  }
0x79: {  	v23 =	vld [tilespmem:s25+$0xE800];
	v15 =	vadd.f32 v21, v15;
	v18 =	vshll.u32 v16, $0x10;
	v13 =	vadd.f32 v16, v13  }
0x7a: {  	v24 =	vld [tilespmem:s25+$0xE810];
	v10 =	vadd.f32 v18, v10;
	v16 =	vshll.u32 v17, $0x10;
	v11 =	vadd.f32 v17, v11  }
.Ltmp4:
0x7b: {  	v18 =	vld [tilespmem:s25+$0xE820];
	v8 =	vadd.f32 v16, v8;
	v17 =	vshll.u32 v19, $0x10;
	v6 =	vadd.f32 v19, v6;
	(pc) =	sbr.rel @p1 .LBB2_7-.Ltmp4, $4  }
0x7c: {  	v16 =	vld [tilespmem:s25+$0xE830];
	v12 =	vadd.f32 v17, v12;
	v19 =	vshll.u32 v20, $0x10;
	v9 =	vadd.f32 v20, v9  }
0x7d: {  	v17 =	vld [tilespmem:s25+$0xE840];
	v20 =	vshll.u32 v22, $0x10;
	v4 =	vadd.f32 v22, v4;
	v7 =	vadd.f32 v19, v7  }
0x7e: {  	v21 =	vshll.u32 v23, $0x10;
	v1 =	vadd.f32 v23, v1;
	v19 =	vld [tilespmem:s25+$0xE850];
	v2 =	vadd.f32 v20, v2  }
0x7f: {  	v0 =	vadd.f32 v21, v0;
	v21 =	vshll.u32 v24, $0x10;
	v3 =	vadd.f32 v24, v3;
	v20 =	vld [tilespmem:s25+$0xE860];
	s25 =	sshra.s32 s26, $0x2;
	s26 =	sadd.s32 $0x200, s26  }
0x80: {  	v22 =	vld [tilespmem:s25+$0xE870]  }
0x81: {  	v23 =	vld [tilespmem:s25+$0xE800]  }
0x82: {  	v24 =	vld [tilespmem:s25+$0xE810];
	v5 =	vadd.f32 v21, v5;
	v21 =	vshll.u32 v18, $0x10;
	v18 =	vadd.f32 v18, v14  }
0x83: {  	v25 =	vld [tilespmem:s25+$0xE820];
	v15 =	vadd.f32 v21, v15;
	v14 =	vshll.u32 v16, $0x10;
	v13 =	vadd.f32 v16, v13  }
0x84: {  	v16 =	vld [tilespmem:s25+$0xE830];
	v10 =	vadd.f32 v14, v10;
	v14 =	vshll.u32 v17, $0x10;
	v11 =	vadd.f32 v17, v11  }
0x85: {  	v17 =	vld [tilespmem:s25+$0xE840];
	v8 =	vadd.f32 v14, v8;
	v14 =	vshll.u32 v19, $0x10;
	v6 =	vadd.f32 v19, v6  }
0x86: {  	v19 =	vld [tilespmem:s25+$0xE850];
	v12 =	vadd.f32 v14, v12;
	v14 =	vshll.u32 v20, $0x10;
	v9 =	vadd.f32 v20, v9  }
0x87: {  	v20 =	vld [tilespmem:s25+$0xE860];
	_ =	swait.ge [sflag:s19], $0x3200;
	v7 =	vadd.f32 v14, v7;
	v21 =	vadd.f32 v22, v4;
	v4 =	vshll.u32 v22, $0x10  }
0x88: {  	v22 =	vadd.f32 v23, v1;
	v1 =	vshll.u32 v23, $0x10;
	[sflag:s19] =	ssyncset.done $0x0;
	v23 =	vadd.f32 v4, v2  }
0x89: {  	s28 =	simm.s32 $0x0;
	v26 =	vadd.f32 v1, v0;
	v0 =	vshll.u32 v24, $0x10;
	v24 =	vadd.f32 v24, v3;
	[sflag:s19] =	ssyncadd.s32 $0xFFFFCE00  }
0x8a: {  	v1 =	vadd.f32 v25, v18;
	v14 =	vadd.f32 v0, v5;
	v0 =	vshll.u32 v25, $0x10;
	v63 =	vld [tilespmem:s28+$0x11C70]  }
0x8b: {  	v2 =	vadd.f32 v16, v13;
	v13 =	vld [tilespmem:s28+$0x11C00];
	v15 =	vadd.f32 v0, v15;
	v0 =	vshll.u32 v16, $0x10  }
0x8c: {  	v3 =	vadd.f32 v17, v11;
	v16 =	vadd.f32 v0, v10;
	v0 =	vshll.u32 v17, $0x10;
	v10 =	vld [tilespmem:s28+$0x11C10]  }
0x8d: {  	v4 =	vadd.f32 v19, v6;
	v17 =	vadd.f32 v0, v8;
	v0 =	vshll.u32 v19, $0x10;
	v8 =	vld [tilespmem:s28+$0x11C20]  }
0x8e: {  	v5 =	vadd.f32 v20, v9;
	v9 =	vld [tilespmem:s28+$0x11C30];
	v19 =	vadd.f32 v0, v12;
	v0 =	vshll.u32 v20, $0x10  }
0x8f: {  	v18 =	vadd.f32 v0, v7;
	v7 =	vld [tilespmem:s28+$0x11C40];
	v12 =	vshll.u32 v63, $0x10;
	v0 =	vadd.f32 v63, v21  }
0x90: {  	v11 =	vld [tilespmem:s28+$0x11C50];
	v20 =	vshll.u32 v13, $0x10;
	v6 =	vadd.f32 v13, v22;
	v12 =	vadd.f32 v12, v23  }
0x91: {  	s26 =	simm.s32 $0x400;
	s25 =	simm.s32 $0x80;
	v13 =	vld [tilespmem:s28+$0x11C60];
	v20 =	vadd.f32 v20, v26;
	v21 =	vshll.u32 v10, $0x10;
	v10 =	vadd.f32 v10, v24  }
.LBB2_9:
0x92: {  	p1 =	sne.s32 s26, $0xC600;
	v22 =	vld [tilespmem:s25+$0x11C70];
	v14 =	vadd.f32 v21, v14;
	v21 =	vshll.u32 v8, $0x10;
	v1 =	vadd.f32 v8, v1  }
0x93: {  	v23 =	vld [tilespmem:s25+$0x11C00];
	v15 =	vadd.f32 v21, v15;
	v8 =	vshll.u32 v9, $0x10;
	v2 =	vadd.f32 v9, v2  }
0x94: {  	v24 =	vld [tilespmem:s25+$0x11C10];
	v16 =	vadd.f32 v8, v16;
	v9 =	vshll.u32 v7, $0x10;
	v3 =	vadd.f32 v7, v3  }
.Ltmp5:
0x95: {  	v8 =	vld [tilespmem:s25+$0x11C20];
	v17 =	vadd.f32 v9, v17;
	v7 =	vshll.u32 v11, $0x10;
	v4 =	vadd.f32 v11, v4;
	(pc) =	sbr.rel @p1 .LBB2_9-.Ltmp5, $4  }
0x96: {  	v9 =	vld [tilespmem:s25+$0x11C30];
	v19 =	vadd.f32 v7, v19;
	v11 =	vshll.u32 v13, $0x10;
	v5 =	vadd.f32 v13, v5  }
0x97: {  	v7 =	vld [tilespmem:s25+$0x11C40];
	v13 =	vshll.u32 v22, $0x10;
	v0 =	vadd.f32 v22, v0;
	v18 =	vadd.f32 v11, v18  }
0x98: {  	v21 =	vshll.u32 v23, $0x10;
	v6 =	vadd.f32 v23, v6;
	v11 =	vld [tilespmem:s25+$0x11C50];
	v12 =	vadd.f32 v13, v12  }
0x99: {  	v20 =	vadd.f32 v21, v20;
	v21 =	vshll.u32 v24, $0x10;
	v10 =	vadd.f32 v24, v10;
	v13 =	vld [tilespmem:s25+$0x11C60];
	s25 =	sshra.s32 s26, $0x2;
	s26 =	sadd.s32 $0x200, s26  }
0x9a: {  	v22 =	vld [tilespmem:s25+$0x11C00]  }
0x9b: {  	v23 =	vld [tilespmem:s25+$0x11C10]  }
0x9c: {  	v24 =	vshll.u32 v8, $0x10;
	v25 =	vld [tilespmem:s25+$0x11C20];
	v14 =	vadd.f32 v21, v14  }
0x9d: {  	v44 =	vld [tilespmem:s25+$0x11C30];
	v1 =	vadd.f32 v8, v1;
	v15 =	vadd.f32 v24, v15;
	v43 =	vshll.u32 v9, $0x10  }
0x9e: {  	v27 =	vld [tilespmem:s25+$0x11C40];
	v2 =	vadd.f32 v9, v2;
	v16 =	vadd.f32 v43, v16  }
0x9f: {  	v47 =	vld [tilespmem:s25+$0x11C50];
	v45 =	vshll.u32 v7, $0x10;
	v3 =	vadd.f32 v7, v3;
	v6 =	vadd.f32 v22, v6  }
0xa0: {  	v49 =	vld [tilespmem:s25+$0x11C70];
	v26 =	vshll.u32 v11, $0x10;
	v17 =	vadd.f32 v45, v17;
	v58 =	vadd.f32 v23, v10  }
0xa1: {  	v4 =	vadd.f32 v11, v4;
	v1 =	vadd.f32 v25, v1;
	v6 =	vmul.f32 $4.999999890e-03, v6  }
0xa2: {  	v19 =	vadd.f32 v26, v19;
	v2 =	vadd.f32 v44, v2;
	v60 =	vmul.f32 $4.999999890e-03, v58  }
0xa3: {  	v29 =	vld [tilespmem:s25+$0x11C60];
	v28 =	vshll.u32 v13, $0x10;
	v3 =	vadd.f32 v27, v3;
	v1 =	vmul.f32 $4.999999890e-03, v1;
	[tilespmem:s24+$0x480] =	vst v6  }
0xa4: {  	v5 =	vadd.f32 v13, v5;
	v4 =	vadd.f32 v47, v4;
	v2 =	vmul.f32 $4.999999890e-03, v2;
	[tilespmem:s24+$0x490] =	vst v60  }
0xa5: {  	v46 =	vshll.u32 v22, $0x10;
	v0 =	vadd.f32 v49, v0;
	v61 =	vmul.f32 $4.999999890e-03, v3;
	[tilespmem:s24+$0x4A0] =	vst v1  }
0xa6: {  	v48 =	vshll.u32 v23, $0x10;
	v20 =	vadd.f32 v46, v20;
	v62 =	vmul.f32 $4.999999890e-03, v4;
	[tilespmem:s24+$0x4B0] =	vst v2  }
0xa7: {  	v50 =	vshll.u32 v25, $0x10;
	v14 =	vadd.f32 v48, v14;
	v0 =	vmul.f32 $4.999999890e-03, v0;
	[tilespmem:s24+$0x4C0] =	vst v61  }
0xa8: {  	v51 =	vshll.u32 v44, $0x10;
	v15 =	vadd.f32 v50, v15;
	v20 =	vmul.f32 $4.999999890e-03, v20;
	[tilespmem:s24+$0x4D0] =	vst v62  }
0xa9: {  	v52 =	vshll.u32 v27, $0x10;
	v16 =	vadd.f32 v51, v16;
	v14 =	vmul.f32 $4.999999890e-03, v14;
	[tilespmem:s24+$0x4F0] =	vst v0  }
0xaa: {  	v53 =	vshll.u32 v47, $0x10;
	v17 =	vadd.f32 v52, v17;
	v15 =	vmul.f32 $4.999999890e-03, v15;
	[tilespmem:s24+$0x80] =	vst v20  }
0xab: {  	v55 =	vshll.u32 v49, $0x10;
	v19 =	vadd.f32 v53, v19;
	v16 =	vmul.f32 $4.999999890e-03, v16;
	[tilespmem:s24+$0x90] =	vst v14  }
0xac: {  	v18 =	vadd.f32 v28, v18;
	v12 =	vadd.f32 v55, v12;
	v17 =	vmul.f32 $4.999999890e-03, v17;
	[tilespmem:s24+$0xA0] =	vst v15  }
0xad: {  	v54 =	vshll.u32 v29, $0x10;
	v5 =	vadd.f32 v29, v5;
	v56 =	vmul.f32 $4.999999890e-03, v19;
	[tilespmem:s24+$0xB0] =	vst v16  }
.Ltmp6:
0xae: {  	v59 =	vmul.f32 $4.999999890e-03, v12;
	v14 =	vadd.f32 v54, v18;
	[tilespmem:s24+$0xC0] =	vst v17;
	(pc) =	sbr.rel @p0 .LBB2_12-.Ltmp6, $4  }
0xaf: {  	v63 =	vmul.f32 $4.999999890e-03, v5;
	[tilespmem:s24+$0xD0] =	vst v56  }
0xb0: {  	[tilespmem:s24+$0xF0] =	vst v59;
	v57 =	vmul.f32 $4.999999890e-03, v14  }
0xb1: {  	[tilespmem:s24+$0x4E0] =	vst v63  }
0xb2: {  	[tilespmem:s24+$0xE0] =	vst v57  }
.Ltmp7:
0xb3: {  	s23 =	sand.u32 $0x3FFFFE00, s23;
	(pc) =	sbr.rel .LBB2_2-.Ltmp7, $4  }
0xb4: {  	s24 =	sadd.s32 $0x300, s23  }
0xb5: {  	[tilespmem:s13], [sflag:$0x3] =	stream.indirect.gather [hbm4b:s3+s8], $0x80, s24, s8, $0xb8;
	[tilespmem:$0x1D000] =	vst v63  }
0xb6: {  	s22 =	sadd.s32 $0x1, s22;
	s23 =	sadd.s32 $0x380, s23  }
0xb7: {  	[tilespmem:s15], [sflag:$0x4] =	stream.indirect.gather [hbm4b:s3+s8], $0x80, s23, s8, $0xb8;
	[tilespmem:$0x1D000] =	vst v63  }
.LBB2_13:
0xb8: {  	_ =	sfence.sel $0x180000  }
0xb9: {  	[bflag:$0x0] =	sbarrier.arrive $0xFFFF  }
0xba: {  	p0 =	sne.s32 s1, $0x0;
	_ =	strace $0x90000047  }
0xbb: {  	s0 =	sadd.s32 @!p0 $0x100000, s0;
	[bflag:$0x2] =	sbarrier.arrive $0xFFFF  }
0xbc: {  	[sflag:s0] =	ssyncadd.tile.s32 @!p0 $0x1;
	_ =	shalt  }
.Lfunc_end2:
_tile_overlayer_lowered:
.L_overlay_start_2:
0xbd: {  	(tag) =	ssettag $0x2  }
0xbe: {  	s0 =	rddreg [dreg:$0x0];
	s2 =	stileid.u32  }
0xbf: {  	s1 =	rddreg [dreg:$0x1];
	p0 =	sne.s32 s2, $0x0  }
0xc0: {  	s3 =	rddreg [dreg:$0x2];
	[bflag:$0x3] =	sbarrier.arrive $0xFFFF;
	s2 =	simm.s32 @!p0 $0x1C05  }
0xc1: {  	[timem:s3], [sflag:s2] =	dma.local @!p0 [hbm:s0], s1  }
0xc2: {  	s0 =	simm.s32 @!p0 $0x5  }
0xc3: {  	_ =	swait.ge @!p0 [sflag:s0], s1  }
0xc4: {  	s1 =	ssub.s32 @!p0 $0x0, s1;
	[sflag:s0] =	ssyncset.done @!p0 $0x0  }
0xc5: {  	[sflag:s0] =	ssyncadd.s32 @!p0 s1  }
0xc6: {  	[bflag:$0x3] =	sbarrier.arrive $0xFFFF  }
0xc7: {  	_ =	shalt  }

</sc_bundles>
